<compile_context>
chip_gen: v7x
topology: tpu7x:2x2x1
jax: 0.10.2.dev20260603
libtpu: 0.0.44.dev20260713+nightly
codegen_flags: <defaults>
</compile_context>

<pallas_src>
import jax
import jax.numpy as jnp
from jax import lax
from jax.experimental import pallas as pl
from jax.experimental.pallas import tpu as pltpu
from jax.experimental.pallas import tpu_sc as plsc

_N = 2048
_E = 65536
_DF = 128
_H = 32
_P1 = 1024
_P2 = 512
_NCLS = 10


_NC = 2
_NS = 16
_LANES = 16
_ROWS_PP = 512
_PASSES = _N // (_NC * _ROWS_PP)
_RPC = _PASSES * _ROWS_PP
_EPT = _E // _NS
_CHUNK = 128
_NCHUNK = _EPT // _CHUNK
_ZBUF = 8192
_PANEL = _ROWS_PP * _N
_SP_PER_TILE = _PANEL // _NS
_ROWS_PER_TILE = _ROWS_PP // _NS


def _adj_body(edge_hbm, a_hbm, deg_hbm, src_v, dst_v, idx_v, didx_v,
              ones_f, zero_v, spmem, degs, sem):
    c = lax.axis_index("c")
    s = lax.axis_index("s")
    e0 = s * _EPT

    pltpu.sync_copy(edge_hbm.at[0, pl.ds(e0, _EPT)], src_v)
    pltpu.sync_copy(edge_hbm.at[1, pl.ds(e0, _EPT)], dst_v)

    @pl.loop(0, _CHUNK, step=_LANES)
    def _(i):
        ones_f[pl.ds(i, _LANES)] = jnp.ones((_LANES,), jnp.float32)

    @pl.loop(0, _ZBUF, step=_LANES)
    def _(i):
        zero_v[pl.ds(i, _LANES)] = jnp.zeros((_LANES,), jnp.float32)

    @pl.loop(0, _NCHUNK)
    def _(j):
        @pl.loop(0, _CHUNK, step=_LANES)
        def _(k):
            off = j * _CHUNK + k
            rel = src_v[pl.ds(off, _LANES)] - c * _RPC
            dst = dst_v[pl.ds(off, _LANES)]
            inb = (rel >= 0) & (rel < _RPC)
            didx_v[j, pl.ds(k, _LANES)] = jnp.where(
                inb, rel, _RPC + (dst & (_P1 - 1)))

    @pl.when(s == 0)
    def _():
        pltpu.sync_copy(zero_v.at[pl.ds(0, _RPC + _P1)], degs)

    @pl.loop(0, _PASSES)
    def _(p):
        row_base = c * _RPC + p * _ROWS_PP

        @pl.loop(0, _SP_PER_TILE, step=_ZBUF)
        def _(z):
            pltpu.async_copy(zero_v,
                             spmem.at[pl.ds(s * _SP_PER_TILE + z, _ZBUF)], sem)

        @pl.loop(0, _SP_PER_TILE, step=_ZBUF)
        def _(z):
            pltpu.make_async_copy(
                zero_v, spmem.at[pl.ds(s * _SP_PER_TILE + z, _ZBUF)], sem
            ).wait()

        @pl.loop(0, _NCHUNK)
        def _(j):
            @pl.loop(0, _CHUNK, step=_LANES)
            def _(k):
                off = j * _CHUNK + k
                src = src_v[pl.ds(off, _LANES)]
                dst = dst_v[pl.ds(off, _LANES)]
                rel = src - row_base
                inb = (rel >= 0) & (rel < _ROWS_PP)
                idx_v[j, pl.ds(k, _LANES)] = jnp.where(
                    inb, rel * _N + dst, _PANEL + dst)

        plsc.subcore_barrier()

        @pl.loop(0, _NCHUNK)
        def _(j):
            pltpu.async_copy(ones_f, spmem.at[idx_v.at[j]], sem, add=True)

        @pl.when(p == 0)
        def _():
            @pl.loop(0, _NCHUNK)
            def _(j):
                pltpu.async_copy(ones_f, degs.at[didx_v.at[j]], sem, add=True)

            @pl.loop(0, _NCHUNK)
            def _(j):
                pltpu.make_async_copy(ones_f, degs.at[didx_v.at[j]],
                                      sem).wait()

        @pl.loop(0, _NCHUNK)
        def _(j):
            pltpu.make_async_copy(ones_f, spmem.at[idx_v.at[j]], sem).wait()

        plsc.subcore_barrier()

        @pl.loop(0, _ROWS_PER_TILE)
        def _(r):
            lr = s * _ROWS_PER_TILE + r
            pltpu.async_copy(spmem.at[pl.ds(lr * _N, _N)],
                             a_hbm.at[row_base + lr], sem)

        @pl.loop(0, _ROWS_PER_TILE)
        def _(r):
            lr = s * _ROWS_PER_TILE + r
            pltpu.make_async_copy(spmem.at[pl.ds(lr * _N, _N)],
                                  a_hbm.at[row_base + lr], sem).wait()

        plsc.subcore_barrier()

    @pl.when(s == 0)
    def _():
        pltpu.sync_copy(degs.at[pl.ds(0, _RPC)],
                        deg_hbm.at[0, pl.ds(c * _RPC, _RPC)])


def _build_adj(edge_index):
    mesh = plsc.VectorSubcoreMesh(core_axis_name="c", subcore_axis_name="s")
    kern = pl.kernel(
        _adj_body,
        out_type=[
            jax.ShapeDtypeStruct((_N, _N), jnp.float32),
            jax.ShapeDtypeStruct((8, _N), jnp.float32),
        ],
        mesh=mesh,
        scratch_types=[
            pltpu.VMEM((_EPT,), jnp.int32),
            pltpu.VMEM((_EPT,), jnp.int32),
            pltpu.VMEM((_NCHUNK, _CHUNK), jnp.int32),
            pltpu.VMEM((_NCHUNK, _CHUNK), jnp.int32),
            pltpu.VMEM((_CHUNK,), jnp.float32),
            pltpu.VMEM((_ZBUF,), jnp.float32),
            pltpu.VMEM_SHARED((_PANEL + _N,), jnp.float32),
            pltpu.VMEM_SHARED((_RPC + _P1,), jnp.float32),
            pltpu.SemaphoreType.DMA,
        ],
    )
    return kern(edge_index)



_RB = 256
_G1 = _N // _RB


def _tc_body(a_ref, x_ref, xb_ref, dgr_ref,
             pw_ref, pb_ref, gw_ref, gb_ref, sw_ref, sb_ref,
             pw1_ref, pb1_ref, gw1_ref, gb1_ref, sw1_ref, sb1_ref,
             gw2_ref, gb2_ref, sw2_ref, sb2_ref, cw_ref, cb_ref,
             out_ref, l1_ref, l2_ref,
             s_scr, st_scr, abf_scr, b_scr, x1_scr, outx_scr, adj_scr,
             sa2_scr, ent_scr, sg2_scr):
    p = pl.program_id(0)
    i = pl.program_id(1)
    f32 = jnp.float32
    bf16 = jnp.bfloat16
    dn = (((0,), (0,)), ((), ()))

    @pl.when((p == 0) & (i == 0))
    def _():
        sa2_scr[...] = jnp.zeros_like(sa2_scr)
        ent_scr[...] = jnp.zeros_like(ent_scr)
        sg2_scr[...] = jnp.zeros_like(sg2_scr)

    @pl.when(p == 0)
    def _():
        a = a_ref[...]
        dinv_row = lax.rsqrt(dgr_ref[0:1, :] + 1.0)
        dinv_col = lax.rsqrt(lax.transpose(
            dgr_ref[0:1, pl.ds(i * _RB, _RB)], (1, 0)) + 1.0)
        sa2_scr[...] += jnp.sum(a * a)
        abf_scr[pl.ds(i * _RB, _RB), :] = a.astype(bf16)

        asc = (a * dinv_row).astype(bf16)
        t = jnp.dot(asc, x_ref[...].astype(bf16), preferred_element_type=f32)
        t = t + dinv_col * xb_ref[...]

        s_pre = dinv_col * jnp.dot(t, pw_ref[...], preferred_element_type=f32)
        s_pre = s_pre + pb_ref[...]
        m = jnp.max(s_pre, axis=-1, keepdims=True)
        e = jnp.exp(s_pre - m)
        z = jnp.sum(e, axis=-1, keepdims=True)
        s_soft = e / z
        sb16 = s_soft.astype(bf16)
        st16 = lax.transpose(sb16, (1, 0))
        s_scr[pl.ds(i * _RB, _RB), :] = sb16
        st_scr[:, pl.ds(i * _RB, _RB)] = st16

        ent_scr[...] += jnp.sum(m + jnp.log(z)) - jnp.sum(s_soft * s_pre)

        xg = dinv_col * jnp.dot(t, gw_ref[...], preferred_element_type=f32)
        x1 = jax.nn.relu(
            xg + gb_ref[...]
            + jnp.dot(xb_ref[...], sw_ref[...], preferred_element_type=f32)
            + sb_ref[...])

        x1_scr[pl.ds(i * _RB, _RB), :] = x1.astype(bf16)

        @pl.when(i == _G1 - 1)
        def _():
            g = jnp.dot(st_scr[...], s_scr[...], preferred_element_type=f32)
            sg2_scr[...] += jnp.sum(g * g)
            outx_scr[...] = jnp.dot(st_scr[...], x1_scr[...],
                                    preferred_element_type=f32)

    @pl.when(p == 1)
    def _():
        abf = abf_scr[pl.ds(i * _RB, _RB), :]
        b = jnp.dot(abf, s_scr[...], preferred_element_type=f32)
        b_scr[pl.ds(i * _RB, _RB), :] = b.astype(bf16)

        @pl.when(i == _G1 - 1)
        def _():
            adj_scr[...] = jnp.dot(st_scr[...], b_scr[...],
                                   preferred_element_type=f32)

    @pl.when((p == 2) & (i == 0))
    def _():
        a2 = adj_scr[...]
        diag1 = jax.lax.broadcasted_iota(jnp.int32, (_P1, _P1), 0) == \
            jax.lax.broadcasted_iota(jnp.int32, (_P1, _P1), 1)
        cross = jnp.sum(jnp.where(diag1, a2, 0.0))
        num1 = sa2_scr[0, 0] - 2.0 * cross + sg2_scr[0, 0]
        l1a = jnp.sqrt(jnp.maximum(num1, 0.0)) / (f32(_N) * f32(_N))
        l2a = ent_scr[0, 0] / f32(_N)

        x2 = outx_scr[...]

        deg2 = jnp.sum(a2, axis=1, keepdims=True) + 1.0
        dinv2 = lax.rsqrt(deg2)
        xd2 = dinv2 * x2
        t2 = jnp.dot(a2, xd2, preferred_element_type=f32) + xd2

        s2p = dinv2 * jnp.dot(t2, pw1_ref[...], preferred_element_type=f32)
        s2p = s2p + pb1_ref[...]
        m = jnp.max(s2p, axis=-1, keepdims=True)
        e = jnp.exp(s2p - m)
        z = jnp.sum(e, axis=-1, keepdims=True)
        s2 = e / z
        s2b = s2.astype(bf16)
        l2b = (jnp.sum(m + jnp.log(z)) - jnp.sum(s2 * s2p)) / f32(_P1)

        xg2 = dinv2 * jnp.dot(t2, gw1_ref[...], preferred_element_type=f32)
        x2b = jax.nn.relu(
            xg2 + gb1_ref[...]
            + jnp.dot(x2, sw1_ref[...], preferred_element_type=f32)
            + sb1_ref[...])

        b2 = jnp.dot(a2.astype(bf16), s2b, preferred_element_type=f32)
        x3 = lax.dot_general(s2b, x2b.astype(bf16), dn,
                             preferred_element_type=f32)
        a3 = lax.dot_general(s2b, b2.astype(bf16), dn,
                             preferred_element_type=f32)

        gram2 = lax.dot_general(s2b, s2b, dn, preferred_element_type=f32)
        diag2 = jax.lax.broadcasted_iota(jnp.int32, (_P2, _P2), 0) == \
            jax.lax.broadcasted_iota(jnp.int32, (_P2, _P2), 1)
        cross2 = jnp.sum(jnp.where(diag2, a3, 0.0))
        num2 = (jnp.sum(a2 * a2) - 2.0 * cross2
                + jnp.sum(gram2 * gram2))
        l1b = jnp.sqrt(jnp.maximum(num2, 0.0)) / (f32(_P1) * f32(_P1))

        deg3 = jnp.sum(a3, axis=1, keepdims=True) + 1.0
        dinv3 = lax.rsqrt(deg3)
        xd3 = dinv3 * x3
        t3 = jnp.dot(a3, xd3, preferred_element_type=f32) + xd3
        xg3 = dinv3 * jnp.dot(t3, gw2_ref[...], preferred_element_type=f32)
        x4 = jax.nn.relu(
            xg3 + gb2_ref[...]
            + jnp.dot(x3, sw2_ref[...], preferred_element_type=f32)
            + sb2_ref[...])

        pooled = jnp.sum(x4, axis=0, keepdims=True) / f32(_P2)
        out_ref[...] = (jnp.dot(pooled, cw_ref[...],
                                preferred_element_type=f32) + cb_ref[...])
        l1_ref[...] = jnp.full((1, 1), 0.0, f32) + (l1a + l1b)
        l2_ref[...] = jnp.full((1, 1), 0.0, f32) + (l2a + l2b)


def _pipeline(a, x, deg, pw, pb, gw, gb, sw, sb,
              pw1, pb1, gw1, gb1, sw1, sb1, gw2, gb2, sw2, sb2, cw, cb):
    fixed = [
        pl.BlockSpec((_N, _DF), lambda p, i: (0, 0)),
        None,
        pl.BlockSpec((8, _N), lambda p, i: (0, 0)),
        pl.BlockSpec((_DF, _P1), lambda p, i: (0, 0)),
        pl.BlockSpec((1, _P1), lambda p, i: (0, 0)),
        pl.BlockSpec((_DF, _H), lambda p, i: (0, 0)),
        pl.BlockSpec((1, _H), lambda p, i: (0, 0)),
        pl.BlockSpec((_DF, _H), lambda p, i: (0, 0)),
        pl.BlockSpec((1, _H), lambda p, i: (0, 0)),
        pl.BlockSpec((_H, _P2), lambda p, i: (0, 0)),
        pl.BlockSpec((1, _P2), lambda p, i: (0, 0)),
        pl.BlockSpec((_H, _H), lambda p, i: (0, 0)),
        pl.BlockSpec((1, _H), lambda p, i: (0, 0)),
        pl.BlockSpec((_H, _H), lambda p, i: (0, 0)),
        pl.BlockSpec((1, _H), lambda p, i: (0, 0)),
        pl.BlockSpec((_H, _H), lambda p, i: (0, 0)),
        pl.BlockSpec((1, _H), lambda p, i: (0, 0)),
        pl.BlockSpec((_H, _H), lambda p, i: (0, 0)),
        pl.BlockSpec((1, _H), lambda p, i: (0, 0)),
        pl.BlockSpec((_H, _NCLS), lambda p, i: (0, 0)),
        pl.BlockSpec((1, _NCLS), lambda p, i: (0, 0)),
    ]

    def _amap(p, i):
        return (jnp.where(p == 0, i, 7), 0)

    in_specs = [pl.BlockSpec((_RB, _N), _amap)] + fixed
    in_specs[2] = pl.BlockSpec((_RB, _DF), _amap)

    return pl.pallas_call(
        _tc_body,
        grid=(3, _G1),
        in_specs=in_specs,
        out_specs=[
            pl.BlockSpec((1, _NCLS), lambda p, i: (0, 0)),
            pl.BlockSpec((1, 1), lambda p, i: (0, 0)),
            pl.BlockSpec((1, 1), lambda p, i: (0, 0)),
        ],
        out_shape=[
            jax.ShapeDtypeStruct((1, _NCLS), jnp.float32),
            jax.ShapeDtypeStruct((1, 1), jnp.float32),
            jax.ShapeDtypeStruct((1, 1), jnp.float32),
        ],
        scratch_shapes=[
            pltpu.VMEM((_N, _P1), jnp.bfloat16),
            pltpu.VMEM((_P1, _N), jnp.bfloat16),
            pltpu.VMEM((_N, _N), jnp.bfloat16),
            pltpu.VMEM((_N, _P1), jnp.bfloat16),
            pltpu.VMEM((_N, _H), jnp.bfloat16),
            pltpu.VMEM((_P1, _H), jnp.float32),
            pltpu.VMEM((_P1, _P1), jnp.float32),
            pltpu.VMEM((1, 1), jnp.float32),
            pltpu.VMEM((1, 1), jnp.float32),
            pltpu.VMEM((1, 1), jnp.float32),
        ],
    )(a, x, x, deg, pw, pb, gw, gb, sw, sb,
      pw1, pb1, gw1, gb1, sw1, sb1, gw2, gb2, sw2, sb2, cw, cb)



def kernel(x, edge_index, gcn_w0, gcn_b0, gcn_w1, gcn_b1, gcn_w2, gcn_b2,
           skip_w0, skip_b0, skip_w1, skip_b1, skip_w2, skip_b2,
           pool_w0, pool_b0, pool_w1, pool_b1, cls_w, cls_b):
    a, deg = _build_adj(edge_index)
    out, l1, l2 = _pipeline(
        a, x, deg,
        pool_w0, pool_b0.reshape(1, _P1),
        gcn_w0, gcn_b0.reshape(1, _H),
        skip_w0, skip_b0.reshape(1, _H),
        pool_w1, pool_b1.reshape(1, _P2),
        gcn_w1, gcn_b1.reshape(1, _H),
        skip_w1, skip_b1.reshape(1, _H),
        gcn_w2, gcn_b2.reshape(1, _H),
        skip_w2, skip_b2.reshape(1, _H),
        cls_w, cls_b.reshape(1, _NCLS))
    return out, l1[0, 0], l2[0, 0]

# --- scband reference (transcript-rebuilt; emitter-appended) ---
"""Pipeline reference for scband-standard-pooling-model-3521873183178 (READ-ONLY COPY).

The authoritative reference and input builder live on the scoring server;
editing this copy changes nothing except your own understanding.
"""

import jax, jax.numpy as jnp
import numpy as np

N = 2048
E = 65536
D_FEAT = 128
HIDDEN = 32
POOL1 = 1024
POOL2 = 512
NUM_CLASSES = 10


def _dense_gcn(x, A, W, b):
    n = A.shape[0]
    A_hat = A + jnp.eye(n, dtype=A.dtype)
    deg = jnp.sum(A_hat, axis=1)
    dinv = jnp.where(deg > 0.0, deg ** -0.5, 0.0)
    An = dinv[:, None] * A_hat * dinv[None, :]
    return An @ (x @ W) + b


def _diff_pool(x, A, s):
    s = jax.nn.softmax(s, axis=-1)
    out = s.T @ x
    out_adj = s.T @ (A @ s)
    diff = A - s @ s.T
    link_loss = jnp.sqrt(jnp.sum(diff * diff)) / (A.shape[0] * A.shape[1])
    ent_loss = jnp.mean(jnp.sum(-s * jnp.log(s + 1e-15), axis=-1))
    return out, out_adj, link_loss, ent_loss


def _lin(k, fi, fo):
    return jax.random.normal(k, (fi, fo), dtype=jnp.float32) * (1.0 / np.sqrt(fi))


def setup_inputs(seed: int = 0):
    key = jax.random.key(seed)
    ks = [jax.random.fold_in(key, i) for i in range(16)]
    inp = {}
    inp['x'] = jax.random.normal(ks[0], (N, D_FEAT), dtype=jnp.float32)
    inp['edge_index'] = jax.random.randint(ks[1], (2, E), 0, N, dtype=jnp.int32)
    inp['gcn_w0'] = _lin(ks[2], D_FEAT, HIDDEN); inp['gcn_b0'] = jnp.zeros((HIDDEN,), jnp.float32)
    inp['gcn_w1'] = _lin(ks[3], HIDDEN, HIDDEN); inp['gcn_b1'] = jnp.zeros((HIDDEN,), jnp.float32)
    inp['gcn_w2'] = _lin(ks[4], HIDDEN, HIDDEN); inp['gcn_b2'] = jnp.zeros((HIDDEN,), jnp.float32)
    inp['skip_w0'] = _lin(ks[5], D_FEAT, HIDDEN); inp['skip_b0'] = jnp.zeros((HIDDEN,), jnp.float32)
    inp['skip_w1'] = _lin(ks[6], HIDDEN, HIDDEN); inp['skip_b1'] = jnp.zeros((HIDDEN,), jnp.float32)
    inp['skip_w2'] = _lin(ks[7], HIDDEN, HIDDEN); inp['skip_b2'] = jnp.zeros((HIDDEN,), jnp.float32)
    inp['pool_w0'] = _lin(ks[8], D_FEAT, POOL1); inp['pool_b0'] = jnp.zeros((POOL1,), jnp.float32)
    inp['pool_w1'] = _lin(ks[9], HIDDEN, POOL2); inp['pool_b1'] = jnp.zeros((POOL2,), jnp.float32)
    inp['cls_w'] = _lin(ks[10], HIDDEN, NUM_CLASSES); inp['cls_b'] = jnp.zeros((NUM_CLASSES,), jnp.float32)
    return inp


def reference(x, edge_index, gcn_w0, gcn_b0, gcn_w1, gcn_b1, gcn_w2, gcn_b2, skip_w0, skip_b0, skip_w1, skip_b1, skip_w2, skip_b2, pool_w0, pool_b0, pool_w1, pool_b1, cls_w, cls_b):
    A = jnp.zeros((N, N), jnp.float32).at[edge_index[0], edge_index[1]].add(1.0)
    s = _dense_gcn(x, A, pool_w0, pool_b0)
    x = jax.nn.relu(_dense_gcn(x, A, gcn_w0, gcn_b0) + x @ skip_w0 + skip_b0)
    x, A, l1a, l2a = _diff_pool(x, A, s)
    s = _dense_gcn(x, A, pool_w1, pool_b1)
    x = jax.nn.relu(_dense_gcn(x, A, gcn_w1, gcn_b1) + x @ skip_w1 + skip_b1)
    x, A, l1b, l2b = _diff_pool(x, A, s)
    x = jax.nn.relu(_dense_gcn(x, A, gcn_w2, gcn_b2) + x @ skip_w2 + skip_b2)
    out = jnp.mean(x, axis=0, keepdims=True) @ cls_w + cls_b
    return (out, l1a + l1b, l2a + l2b)

if __name__ == "__main__":
    import jax
    _d = setup_inputs()
    print(jax.jit(kernel)(*tuple(_d.values())))

</pallas_src>

<mosaic_0001>
#map = affine_map<(d0, d1) -> (0, 0)>
module attributes {stable_mosaic.version = 14 : i64} {
  func.func @_adj_body(%arg0: i32, %arg1: i32, %arg2: memref<2x65536xi32, #tpu.memory_space<hbm>>, %arg3: memref<2048x2048xf32, #tpu.memory_space<hbm>>, %arg4: memref<8x2048xf32, #tpu.memory_space<hbm>>, %arg5: memref<4096xi32, #tpu.memory_space<vmem>>, %arg6: memref<4096xi32, #tpu.memory_space<vmem>>, %arg7: memref<32x128xi32, #tpu.memory_space<vmem>>, %arg8: memref<32x128xi32, #tpu.memory_space<vmem>>, %arg9: memref<128xf32, #tpu.memory_space<vmem>>, %arg10: memref<8192xf32, #tpu.memory_space<vmem>>, %arg11: memref<1050624xf32, #tpu.memory_space<vmem_shared>>, %arg12: memref<2048xf32, #tpu.memory_space<vmem_shared>>, %arg13: memref<!tpu.dma_semaphore, #tpu.memory_space<semaphore_mem>>) attributes {dimension_semantics = [#tpu.dimension_semantics<core_parallel>, #tpu.dimension_semantics<subcore_parallel>], iteration_bounds = array<i64: 2, 16>, scalar_prefetch = 0 : i64, scratch_operands = 9 : i64, tpu.core_type = #tpu.core_type<sc_vector_subcore>, window_params = [{transform_indices = #map}, {transform_indices = #map}, {transform_indices = #map}]} {
    %mul3A = arith.constant 4096 : i32
    %mul3A_0 = arith.muli %arg1, %mul3A : i32
    %run_scoped3A = arith.constant 0 : i32
    "tpu.region"() ({
      %run_scoped3A_28 = tpu.sem_alloc : memref<!tpu.dma_semaphore, #tpu.memory_space<semaphore_mem>>
      %dma_start3A = tpu.memref_slice %arg2[%run_scoped3A, %mul3A_0] : memref<2x65536xi32, #tpu.memory_space<hbm>> -> memref<1x4096xi32, #tpu.memory_space<hbm>>
      %dma_start3A_29 = tpu.memref_squeeze %dma_start3A : memref<1x4096xi32, #tpu.memory_space<hbm>> -> memref<4096xi32, #tpu.memory_space<hbm>>
      %dma_start3A_30 = tpu.memref_slice %arg2[%run_scoped3A, %mul3A_0] : memref<2x65536xi32, #tpu.memory_space<hbm>> -> memref<1x4096xi32, #tpu.memory_space<hbm>>
      %dma_start3A_31 = tpu.memref_squeeze %dma_start3A_30 : memref<1x4096xi32, #tpu.memory_space<hbm>> -> memref<4096xi32, #tpu.memory_space<hbm>>
      tpu.enqueue_dma source(%dma_start3A_31 : memref<4096xi32, #tpu.memory_space<hbm>>) target(%arg5 : memref<4096xi32, #tpu.memory_space<vmem>>) target_semaphore(%run_scoped3A_28 : memref<!tpu.dma_semaphore, #tpu.memory_space<semaphore_mem>>)
      %dma_wait3A = tpu.memref_slice %arg2[%run_scoped3A, %mul3A_0] : memref<2x65536xi32, #tpu.memory_space<hbm>> -> memref<1x4096xi32, #tpu.memory_space<hbm>>
      %dma_wait3A_32 = tpu.memref_squeeze %dma_wait3A : memref<1x4096xi32, #tpu.memory_space<hbm>> -> memref<4096xi32, #tpu.memory_space<hbm>>
      %dma_wait3A_33 = tpu.memref_slice %arg2[%run_scoped3A, %mul3A_0] : memref<2x65536xi32, #tpu.memory_space<hbm>> -> memref<1x4096xi32, #tpu.memory_space<hbm>>
      %dma_wait3A_34 = tpu.memref_squeeze %dma_wait3A_33 : memref<1x4096xi32, #tpu.memory_space<hbm>> -> memref<4096xi32, #tpu.memory_space<hbm>>
      tpu.wait_dma2 semaphore(%run_scoped3A_28 : memref<!tpu.dma_semaphore, #tpu.memory_space<semaphore_mem>>) src(%dma_wait3A_34 : memref<4096xi32, #tpu.memory_space<hbm>>) dst(%arg5 : memref<4096xi32, #tpu.memory_space<vmem>>)
      tpu.yield
    }) : () -> ()
    %run_scoped3A_1 = arith.constant 1 : i32
    "tpu.region"() ({
      %run_scoped3A_28 = tpu.sem_alloc : memref<!tpu.dma_semaphore, #tpu.memory_space<semaphore_mem>>
      %dma_start3A = tpu.memref_slice %arg2[%run_scoped3A_1, %mul3A_0] : memref<2x65536xi32, #tpu.memory_space<hbm>> -> memref<1x4096xi32, #tpu.memory_space<hbm>>
      %dma_start3A_29 = tpu.memref_squeeze %dma_start3A : memref<1x4096xi32, #tpu.memory_space<hbm>> -> memref<4096xi32, #tpu.memory_space<hbm>>
      %dma_start3A_30 = tpu.memref_slice %arg2[%run_scoped3A_1, %mul3A_0] : memref<2x65536xi32, #tpu.memory_space<hbm>> -> memref<1x4096xi32, #tpu.memory_space<hbm>>
      %dma_start3A_31 = tpu.memref_squeeze %dma_start3A_30 : memref<1x4096xi32, #tpu.memory_space<hbm>> -> memref<4096xi32, #tpu.memory_space<hbm>>
      tpu.enqueue_dma source(%dma_start3A_31 : memref<4096xi32, #tpu.memory_space<hbm>>) target(%arg6 : memref<4096xi32, #tpu.memory_space<vmem>>) target_semaphore(%run_scoped3A_28 : memref<!tpu.dma_semaphore, #tpu.memory_space<semaphore_mem>>)
      %dma_wait3A = tpu.memref_slice %arg2[%run_scoped3A_1, %mul3A_0] : memref<2x65536xi32, #tpu.memory_space<hbm>> -> memref<1x4096xi32, #tpu.memory_space<hbm>>
      %dma_wait3A_32 = tpu.memref_squeeze %dma_wait3A : memref<1x4096xi32, #tpu.memory_space<hbm>> -> memref<4096xi32, #tpu.memory_space<hbm>>
      %dma_wait3A_33 = tpu.memref_slice %arg2[%run_scoped3A_1, %mul3A_0] : memref<2x65536xi32, #tpu.memory_space<hbm>> -> memref<1x4096xi32, #tpu.memory_space<hbm>>
      %dma_wait3A_34 = tpu.memref_squeeze %dma_wait3A_33 : memref<1x4096xi32, #tpu.memory_space<hbm>> -> memref<4096xi32, #tpu.memory_space<hbm>>
      tpu.wait_dma2 semaphore(%run_scoped3A_28 : memref<!tpu.dma_semaphore, #tpu.memory_space<semaphore_mem>>) src(%dma_wait3A_34 : memref<4096xi32, #tpu.memory_space<hbm>>) dst(%arg6 : memref<4096xi32, #tpu.memory_space<vmem>>)
      tpu.yield
    }) : () -> ()
    %scan3A = arith.constant 0 : i32
    %scan3A_2 = arith.constant 8 : i32
    %scan3A_3 = arith.addi %scan3A, %scan3A_2 : i32
    %scan3A_4 = arith.constant 1 : i32
    scf.for %scan3A_28 = %scan3A to %scan3A_3 step %scan3A_4  : i32 {
      %mul3A_29 = arith.constant 16 : i32
      %mul3A_30 = arith.muli %scan3A_28, %mul3A_29 : i32
      %add3A = arith.constant 0 : i32
      %add3A_31 = arith.addi %add3A, %mul3A_30 : i32
      %broadcast_in_dim3A = arith.constant 1.000000e+00 : f32
      %broadcast_in_dim3A_32 = vector.broadcast %broadcast_in_dim3A : f32 to vector<16xf32>
      %swap3A = arith.index_cast %add3A_31 : i32 to index
      %swap3A_33 = tpu.vector_load %arg9[%swap3A] {strides = array<i32>} : memref<128xf32, #tpu.memory_space<vmem>>, vector<16xf32>,
      %swap3A_34 = vector.shape_cast %swap3A_33 : vector<16xf32> to vector<16xf32>
      %swap3A_35 = vector.shape_cast %broadcast_in_dim3A_32 : vector<16xf32> to vector<16xf32>
      tpu.vector_store %arg9[%swap3A], %swap3A_35 {strides = array<i32>} : memref<128xf32, #tpu.memory_space<vmem>>, vector<16xf32>,
    }
    %scan3A_5 = arith.constant 8 : i32
    %scan3A_6 = arith.constant 0 : i32
    %scan3A_7 = arith.constant 512 : i32
    %scan3A_8 = arith.addi %scan3A_6, %scan3A_7 : i32
    %scan3A_9 = arith.constant 1 : i32
    scf.for %scan3A_28 = %scan3A_6 to %scan3A_8 step %scan3A_9  : i32 {
      %mul3A_29 = arith.constant 16 : i32
      %mul3A_30 = arith.muli %scan3A_28, %mul3A_29 : i32
      %add3A = arith.constant 0 : i32
      %add3A_31 = arith.addi %add3A, %mul3A_30 : i32
      %broadcast_in_dim3A = arith.constant 0.000000e+00 : f32
      %broadcast_in_dim3A_32 = vector.broadcast %broadcast_in_dim3A : f32 to vector<16xf32>
      %swap3A = arith.index_cast %add3A_31 : i32 to index
      %swap3A_33 = tpu.vector_load %arg10[%swap3A] {strides = array<i32>} : memref<8192xf32, #tpu.memory_space<vmem>>, vector<16xf32>,
      %swap3A_34 = vector.shape_cast %swap3A_33 : vector<16xf32> to vector<16xf32>
      %swap3A_35 = vector.shape_cast %broadcast_in_dim3A_32 : vector<16xf32> to vector<16xf32>
      tpu.vector_store %arg10[%swap3A], %swap3A_35 {strides = array<i32>} : memref<8192xf32, #tpu.memory_space<vmem>>, vector<16xf32>,
    }
    %scan3A_10 = arith.constant 512 : i32
    %scan3A_11 = arith.constant 0 : i32
    %scan3A_12 = arith.constant 32 : i32
    %scan3A_13 = arith.addi %scan3A_11, %scan3A_12 : i32
    %scan3A_14 = arith.constant 1 : i32
    scf.for %scan3A_28 = %scan3A_11 to %scan3A_13 step %scan3A_14  : i32 {
      %mul3A_29 = arith.constant 1 : i32
      %mul3A_30 = arith.muli %scan3A_28, %mul3A_29 : i32
      %add3A = arith.constant 0 : i32
      %add3A_31 = arith.addi %add3A, %mul3A_30 : i32
      %scan3A_32 = arith.constant 0 : i32
      %scan3A_33 = arith.constant 8 : i32
      %scan3A_34 = arith.addi %scan3A_32, %scan3A_33 : i32
      %scan3A_35 = arith.constant 1 : i32
      scf.for %scan3A_37 = %scan3A_32 to %scan3A_34 step %scan3A_35  : i32 {
        %mul3A_38 = arith.constant 16 : i32
        %mul3A_39 = arith.muli %scan3A_37, %mul3A_38 : i32
        %add3A_40 = arith.constant 0 : i32
        %add3A_41 = arith.addi %add3A_40, %mul3A_39 : i32
        %mul3A_42 = arith.constant 128 : i32
        %mul3A_43 = arith.muli %add3A_31, %mul3A_42 : i32
        %add3A_44 = arith.addi %mul3A_43, %add3A_41 : i32
        %get3A = arith.index_cast %add3A_44 : i32 to index
        %get3A_45 = tpu.vector_load %arg5[%get3A] {strides = array<i32>} : memref<4096xi32, #tpu.memory_space<vmem>>, vector<16xi32>,
        %get3A_46 = vector.shape_cast %get3A_45 : vector<16xi32> to vector<16xi32>
        %mul3A_47 = arith.constant 1024 : i32
        %mul3A_48 = arith.muli %arg0, %mul3A_47 : i32
        %sub3A = vector.broadcast %mul3A_48 : i32 to vector<16xi32>
        %sub3A_49 = arith.subi %get3A_46, %sub3A : vector<16xi32>
        %get3A_50 = arith.index_cast %add3A_44 : i32 to index
        %get3A_51 = tpu.vector_load %arg6[%get3A_50] {strides = array<i32>} : memref<4096xi32, #tpu.memory_space<vmem>>, vector<16xi32>,
        %get3A_52 = vector.shape_cast %get3A_51 : vector<16xi32> to vector<16xi32>
        %ge3A = arith.constant 0 : i32
        %ge3A_53 = vector.broadcast %ge3A : i32 to vector<16xi32>
        %ge3A_54 = arith.cmpi sge, %sub3A_49, %ge3A_53 : vector<16xi32>
        %lt3A = arith.constant 1024 : i32
        %lt3A_55 = vector.broadcast %lt3A : i32 to vector<16xi32>
        %lt3A_56 = arith.cmpi slt, %sub3A_49, %lt3A_55 : vector<16xi32>
        %and3A = arith.andi %ge3A_54, %lt3A_56 : vector<16xi1>
        %and3A_57 = arith.constant 1023 : i32
        %and3A_58 = vector.broadcast %and3A_57 : i32 to vector<16xi32>
        %and3A_59 = arith.andi %get3A_52, %and3A_58 : vector<16xi32>
        %add3A_60 = arith.constant 1024 : i32
        %add3A_61 = vector.broadcast %add3A_60 : i32 to vector<16xi32>
        %add3A_62 = arith.addi %add3A_61, %and3A_59 : vector<16xi32>
        %select_n3A = arith.select %and3A, %sub3A_49, %add3A_62 : vector<16xi1>, vector<16xi32>
        %swap3A = arith.index_cast %add3A_31 : i32 to index
        %swap3A_63 = arith.index_cast %add3A_41 : i32 to index
        %swap3A_64 = tpu.vector_load %arg8[%swap3A, %swap3A_63] {strides = array<i32>} : memref<32x128xi32, #tpu.memory_space<vmem>>, vector<1x16xi32>,
        %swap3A_65 = vector.shape_cast %swap3A_64 : vector<1x16xi32> to vector<16xi32>
        %swap3A_66 = vector.shape_cast %select_n3A : vector<16xi32> to vector<1x16xi32>
        tpu.vector_store %arg8[%swap3A, %swap3A_63], %swap3A_66 {strides = array<i32>} : memref<32x128xi32, #tpu.memory_space<vmem>>, vector<1x16xi32>,
      }
      %scan3A_36 = arith.constant 8 : i32
    }
    %scan3A_15 = arith.constant 32 : i32
    %eq3A = arith.constant 0 : i32
    %eq3A_16 = arith.cmpi eq, %arg1, %eq3A : i32
    %convert_element_type3A = arith.extui %eq3A_16 : i1 to i32
    %cond3A = arith.constant 0 : i32
    %cond3A_17 = arith.cmpi ne, %convert_element_type3A, %cond3A : i32
    scf.if %cond3A_17 {
      "tpu.region"() ({
        %run_scoped3A_28 = tpu.sem_alloc : memref<!tpu.dma_semaphore, #tpu.memory_space<semaphore_mem>>
        %dma_start3A = arith.constant 0 : i32
        %dma_start3A_29 = tpu.memref_slice %arg10[%dma_start3A] : memref<8192xf32, #tpu.memory_space<vmem>> -> memref<2048xf32, #tpu.memory_space<vmem>>
        %dma_start3A_30 = arith.constant 0 : i32
        %dma_start3A_31 = tpu.memref_slice %arg10[%dma_start3A_30] : memref<8192xf32, #tpu.memory_space<vmem>> -> memref<2048xf32, #tpu.memory_space<vmem>>
        tpu.enqueue_dma source(%dma_start3A_31 : memref<2048xf32, #tpu.memory_space<vmem>>) target(%arg12 : memref<2048xf32, #tpu.memory_space<vmem_shared>>) target_semaphore(%run_scoped3A_28 : memref<!tpu.dma_semaphore, #tpu.memory_space<semaphore_mem>>)
        %dma_wait3A = arith.constant 0 : i32
        %dma_wait3A_32 = tpu.memref_slice %arg10[%dma_wait3A] : memref<8192xf32, #tpu.memory_space<vmem>> -> memref<2048xf32, #tpu.memory_space<vmem>>
        %dma_wait3A_33 = arith.constant 0 : i32
        %dma_wait3A_34 = tpu.memref_slice %arg10[%dma_wait3A_33] : memref<8192xf32, #tpu.memory_space<vmem>> -> memref<2048xf32, #tpu.memory_space<vmem>>
        tpu.wait_dma2 semaphore(%run_scoped3A_28 : memref<!tpu.dma_semaphore, #tpu.memory_space<semaphore_mem>>) src(%dma_wait3A_34 : memref<2048xf32, #tpu.memory_space<vmem>>) dst(%arg12 : memref<2048xf32, #tpu.memory_space<vmem_shared>>)
        tpu.yield
      }) : () -> ()
    } else {
    }
    %scan3A_18 = arith.constant 0 : i32
    %scan3A_19 = arith.constant 2 : i32
    %scan3A_20 = arith.addi %scan3A_18, %scan3A_19 : i32
    %scan3A_21 = arith.constant 1 : i32
    scf.for %scan3A_28 = %scan3A_18 to %scan3A_20 step %scan3A_21  : i32 {
      %mul3A_29 = arith.constant 1 : i32
      %mul3A_30 = arith.muli %scan3A_28, %mul3A_29 : i32
      %add3A = arith.constant 0 : i32
      %add3A_31 = arith.addi %add3A, %mul3A_30 : i32
      %mul3A_32 = arith.constant 1024 : i32
      %mul3A_33 = arith.muli %arg0, %mul3A_32 : i32
      %mul3A_34 = arith.constant 512 : i32
      %mul3A_35 = arith.muli %add3A_31, %mul3A_34 : i32
      %add3A_36 = arith.addi %mul3A_33, %mul3A_35 : i32
      %scan3A_37 = arith.constant 0 : i32
      %scan3A_38 = arith.constant 8 : i32
      %scan3A_39 = arith.addi %scan3A_37, %scan3A_38 : i32
      %scan3A_40 = arith.constant 1 : i32
      scf.for %scan3A_79 = %scan3A_37 to %scan3A_39 step %scan3A_40  : i32 {
        %mul3A_80 = arith.constant 8192 : i32
        %mul3A_81 = arith.muli %scan3A_79, %mul3A_80 : i32
        %add3A_82 = arith.constant 0 : i32
        %add3A_83 = arith.addi %add3A_82, %mul3A_81 : i32
        %mul3A_84 = arith.constant 65536 : i32
        %mul3A_85 = arith.muli %arg1, %mul3A_84 : i32
        %add3A_86 = arith.addi %mul3A_85, %add3A_83 : i32
        %dma_start3A = tpu.memref_slice %arg11[%add3A_86] : memref<1050624xf32, #tpu.memory_space<vmem_shared>> -> memref<8192xf32, #tpu.memory_space<vmem_shared>>
        %dma_start3A_87 = tpu.memref_slice %arg11[%add3A_86] : memref<1050624xf32, #tpu.memory_space<vmem_shared>> -> memref<8192xf32, #tpu.memory_space<vmem_shared>>
        tpu.enqueue_dma source(%arg10 : memref<8192xf32, #tpu.memory_space<vmem>>) target(%dma_start3A_87 : memref<8192xf32, #tpu.memory_space<vmem_shared>>) target_semaphore(%arg13 : memref<!tpu.dma_semaphore, #tpu.memory_space<semaphore_mem>>)
      }
      %scan3A_41 = arith.constant 8 : i32
      %scan3A_42 = arith.constant 0 : i32
      %scan3A_43 = arith.constant 8 : i32
      %scan3A_44 = arith.addi %scan3A_42, %scan3A_43 : i32
      %scan3A_45 = arith.constant 1 : i32
      scf.for %scan3A_79 = %scan3A_42 to %scan3A_44 step %scan3A_45  : i32 {
        %mul3A_80 = arith.constant 8192 : i32
        %mul3A_81 = arith.muli %scan3A_79, %mul3A_80 : i32
        %add3A_82 = arith.constant 0 : i32
        %add3A_83 = arith.addi %add3A_82, %mul3A_81 : i32
        %mul3A_84 = arith.constant 65536 : i32
        %mul3A_85 = arith.muli %arg1, %mul3A_84 : i32
        %add3A_86 = arith.addi %mul3A_85, %add3A_83 : i32
        %dma_wait3A = tpu.memref_slice %arg11[%add3A_86] : memref<1050624xf32, #tpu.memory_space<vmem_shared>> -> memref<8192xf32, #tpu.memory_space<vmem_shared>>
        %dma_wait3A_87 = tpu.memref_slice %arg11[%add3A_86] : memref<1050624xf32, #tpu.memory_space<vmem_shared>> -> memref<8192xf32, #tpu.memory_space<vmem_shared>>
        tpu.wait_dma2 semaphore(%arg13 : memref<!tpu.dma_semaphore, #tpu.memory_space<semaphore_mem>>) src(%arg10 : memref<8192xf32, #tpu.memory_space<vmem>>) dst(%dma_wait3A_87 : memref<8192xf32, #tpu.memory_space<vmem_shared>>)
      }
      %scan3A_46 = arith.constant 8 : i32
      %scan3A_47 = arith.constant 0 : i32
      %scan3A_48 = arith.constant 32 : i32
      %scan3A_49 = arith.addi %scan3A_47, %scan3A_48 : i32
      %scan3A_50 = arith.constant 1 : i32
      scf.for %scan3A_79 = %scan3A_47 to %scan3A_49 step %scan3A_50  : i32 {
        %mul3A_80 = arith.constant 1 : i32
        %mul3A_81 = arith.muli %scan3A_79, %mul3A_80 : i32
        %add3A_82 = arith.constant 0 : i32
        %add3A_83 = arith.addi %add3A_82, %mul3A_81 : i32
        %scan3A_84 = arith.constant 0 : i32
        %scan3A_85 = arith.constant 8 : i32
        %scan3A_86 = arith.addi %scan3A_84, %scan3A_85 : i32
        %scan3A_87 = arith.constant 1 : i32
        scf.for %scan3A_89 = %scan3A_84 to %scan3A_86 step %scan3A_87  : i32 {
          %mul3A_90 = arith.constant 16 : i32
          %mul3A_91 = arith.muli %scan3A_89, %mul3A_90 : i32
          %add3A_92 = arith.constant 0 : i32
          %add3A_93 = arith.addi %add3A_92, %mul3A_91 : i32
          %mul3A_94 = arith.constant 128 : i32
          %mul3A_95 = arith.muli %add3A_83, %mul3A_94 : i32
          %add3A_96 = arith.addi %mul3A_95, %add3A_93 : i32
          %get3A = arith.index_cast %add3A_96 : i32 to index
          %get3A_97 = tpu.vector_load %arg5[%get3A] {strides = array<i32>} : memref<4096xi32, #tpu.memory_space<vmem>>, vector<16xi32>,
          %get3A_98 = vector.shape_cast %get3A_97 : vector<16xi32> to vector<16xi32>
          %get3A_99 = arith.index_cast %add3A_96 : i32 to index
          %get3A_100 = tpu.vector_load %arg6[%get3A_99] {strides = array<i32>} : memref<4096xi32, #tpu.memory_space<vmem>>, vector<16xi32>,
          %get3A_101 = vector.shape_cast %get3A_100 : vector<16xi32> to vector<16xi32>
          %sub3A = vector.broadcast %add3A_36 : i32 to vector<16xi32>
          %sub3A_102 = arith.subi %get3A_98, %sub3A : vector<16xi32>
          %ge3A = arith.constant 0 : i32
          %ge3A_103 = vector.broadcast %ge3A : i32 to vector<16xi32>
          %ge3A_104 = arith.cmpi sge, %sub3A_102, %ge3A_103 : vector<16xi32>
          %lt3A = arith.constant 512 : i32
          %lt3A_105 = vector.broadcast %lt3A : i32 to vector<16xi32>
          %lt3A_106 = arith.cmpi slt, %sub3A_102, %lt3A_105 : vector<16xi32>
          %and3A = arith.andi %ge3A_104, %lt3A_106 : vector<16xi1>
          %mul3A_107 = arith.constant 2048 : i32
          %mul3A_108 = vector.broadcast %mul3A_107 : i32 to vector<16xi32>
          %mul3A_109 = arith.muli %sub3A_102, %mul3A_108 : vector<16xi32>
          %add3A_110 = arith.addi %mul3A_109, %get3A_101 : vector<16xi32>
          %add3A_111 = arith.constant 1048576 : i32
          %add3A_112 = vector.broadcast %add3A_111 : i32 to vector<16xi32>
          %add3A_113 = arith.addi %add3A_112, %get3A_101 : vector<16xi32>
          %select_n3A = arith.select %and3A, %add3A_110, %add3A_113 : vector<16xi1>, vector<16xi32>
          %swap3A = arith.index_cast %add3A_83 : i32 to index
          %swap3A_114 = arith.index_cast %add3A_93 : i32 to index
          %swap3A_115 = tpu.vector_load %arg7[%swap3A, %swap3A_114] {strides = array<i32>} : memref<32x128xi32, #tpu.memory_space<vmem>>, vector<1x16xi32>,
          %swap3A_116 = vector.shape_cast %swap3A_115 : vector<1x16xi32> to vector<16xi32>
          %swap3A_117 = vector.shape_cast %select_n3A : vector<16xi32> to vector<1x16xi32>
          tpu.vector_store %arg7[%swap3A, %swap3A_114], %swap3A_117 {strides = array<i32>} : memref<32x128xi32, #tpu.memory_space<vmem>>, vector<1x16xi32>,
        }
        %scan3A_88 = arith.constant 8 : i32
      }
      %scan3A_51 = arith.constant 32 : i32
      %barrier3A = arith.constant 0 : index
      tpu.barrier barrier_id(%barrier3A)
      %scan3A_52 = arith.constant 0 : i32
      %scan3A_53 = arith.constant 32 : i32
      %scan3A_54 = arith.addi %scan3A_52, %scan3A_53 : i32
      %scan3A_55 = arith.constant 1 : i32
      scf.for %scan3A_79 = %scan3A_52 to %scan3A_54 step %scan3A_55  : i32 {
        %mul3A_80 = arith.constant 1 : i32
        %mul3A_81 = arith.muli %scan3A_79, %mul3A_80 : i32
        %add3A_82 = arith.constant 0 : i32
        %add3A_83 = arith.addi %add3A_82, %mul3A_81 : i32
        %dma_start3A = arith.constant 0 : i32
        %dma_start3A_84 = tpu.memref_slice %arg7[%add3A_83, %dma_start3A] : memref<32x128xi32, #tpu.memory_space<vmem>> -> memref<1x128xi32, #tpu.memory_space<vmem>>
        %dma_start3A_85 = tpu.memref_squeeze %dma_start3A_84 : memref<1x128xi32, #tpu.memory_space<vmem>> -> memref<128xi32, #tpu.memory_space<vmem>>
        %dma_start3A_86 = arith.constant 0 : i32
        %dma_start3A_87 = tpu.memref_slice %arg11[%dma_start3A_86] : memref<1050624xf32, #tpu.memory_space<vmem_shared>> -> memref<1050624xf32, #tpu.memory_space<vmem_shared>>
        tpu.enqueue_indirect_dma source(%arg9 : memref<128xf32, #tpu.memory_space<vmem>>) target(%dma_start3A_87 : memref<1050624xf32, #tpu.memory_space<vmem_shared>>) offsets(%dma_start3A_85 : memref<128xi32, #tpu.memory_space<vmem>>) semaphore(%arg13 : memref<!tpu.dma_semaphore, #tpu.memory_space<semaphore_mem>>) {add = true}
      }
      %scan3A_56 = arith.constant 32 : i32
      %eq3A_57 = arith.constant 0 : i32
      %eq3A_58 = arith.cmpi eq, %add3A_31, %eq3A_57 : i32
      %convert_element_type3A_59 = arith.extui %eq3A_58 : i1 to i32
      %cond3A_60 = arith.constant 0 : i32
      %cond3A_61 = arith.cmpi ne, %convert_element_type3A_59, %cond3A_60 : i32
      scf.if %cond3A_61 {
        %scan3A_79 = arith.constant 0 : i32
        %scan3A_80 = arith.constant 32 : i32
        %scan3A_81 = arith.addi %scan3A_79, %scan3A_80 : i32
        %scan3A_82 = arith.constant 1 : i32
        scf.for %scan3A_89 = %scan3A_79 to %scan3A_81 step %scan3A_82  : i32 {
          %mul3A_90 = arith.constant 1 : i32
          %mul3A_91 = arith.muli %scan3A_89, %mul3A_90 : i32
          %add3A_92 = arith.constant 0 : i32
          %add3A_93 = arith.addi %add3A_92, %mul3A_91 : i32
          %dma_start3A = arith.constant 0 : i32
          %dma_start3A_94 = tpu.memref_slice %arg8[%add3A_93, %dma_start3A] : memref<32x128xi32, #tpu.memory_space<vmem>> -> memref<1x128xi32, #tpu.memory_space<vmem>>
          %dma_start3A_95 = tpu.memref_squeeze %dma_start3A_94 : memref<1x128xi32, #tpu.memory_space<vmem>> -> memref<128xi32, #tpu.memory_space<vmem>>
          %dma_start3A_96 = arith.constant 0 : i32
          %dma_start3A_97 = tpu.memref_slice %arg12[%dma_start3A_96] : memref<2048xf32, #tpu.memory_space<vmem_shared>> -> memref<2048xf32, #tpu.memory_space<vmem_shared>>
          tpu.enqueue_indirect_dma source(%arg9 : memref<128xf32, #tpu.memory_space<vmem>>) target(%dma_start3A_97 : memref<2048xf32, #tpu.memory_space<vmem_shared>>) offsets(%dma_start3A_95 : memref<128xi32, #tpu.memory_space<vmem>>) semaphore(%arg13 : memref<!tpu.dma_semaphore, #tpu.memory_space<semaphore_mem>>) {add = true}
        }
        %scan3A_83 = arith.constant 32 : i32
        %scan3A_84 = arith.constant 0 : i32
        %scan3A_85 = arith.constant 32 : i32
        %scan3A_86 = arith.addi %scan3A_84, %scan3A_85 : i32
        %scan3A_87 = arith.constant 1 : i32
        scf.for %scan3A_89 = %scan3A_84 to %scan3A_86 step %scan3A_87  : i32 {
          %mul3A_90 = arith.constant 1 : i32
          %mul3A_91 = arith.muli %scan3A_89, %mul3A_90 : i32
          %add3A_92 = arith.constant 0 : i32
          %add3A_93 = arith.addi %add3A_92, %mul3A_91 : i32
          %dma_wait3A = arith.constant 0 : i32
          %dma_wait3A_94 = tpu.memref_slice %arg8[%add3A_93, %dma_wait3A] : memref<32x128xi32, #tpu.memory_space<vmem>> -> memref<1x128xi32, #tpu.memory_space<vmem>>
          %dma_wait3A_95 = tpu.memref_squeeze %dma_wait3A_94 : memref<1x128xi32, #tpu.memory_space<vmem>> -> memref<128xi32, #tpu.memory_space<vmem>>
          %dma_wait3A_96 = arith.constant 0 : i32
          %dma_wait3A_97 = tpu.memref_slice %arg12[%dma_wait3A_96] : memref<2048xf32, #tpu.memory_space<vmem_shared>> -> memref<2048xf32, #tpu.memory_space<vmem_shared>>
          tpu.wait_indirect_dma semaphore(%arg13 : memref<!tpu.dma_semaphore, #tpu.memory_space<semaphore_mem>>) src(%arg9 : memref<128xf32, #tpu.memory_space<vmem>>) dst(%dma_wait3A_97 : memref<2048xf32, #tpu.memory_space<vmem_shared>>)
        }
        %scan3A_88 = arith.constant 32 : i32
      } else {
      }
      %scan3A_62 = arith.constant 0 : i32
      %scan3A_63 = arith.constant 32 : i32
      %scan3A_64 = arith.addi %scan3A_62, %scan3A_63 : i32
      %scan3A_65 = arith.constant 1 : i32
      scf.for %scan3A_79 = %scan3A_62 to %scan3A_64 step %scan3A_65  : i32 {
        %mul3A_80 = arith.constant 1 : i32
        %mul3A_81 = arith.muli %scan3A_79, %mul3A_80 : i32
        %add3A_82 = arith.constant 0 : i32
        %add3A_83 = arith.addi %add3A_82, %mul3A_81 : i32
        %dma_wait3A = arith.constant 0 : i32
        %dma_wait3A_84 = tpu.memref_slice %arg7[%add3A_83, %dma_wait3A] : memref<32x128xi32, #tpu.memory_space<vmem>> -> memref<1x128xi32, #tpu.memory_space<vmem>>
        %dma_wait3A_85 = tpu.memref_squeeze %dma_wait3A_84 : memref<1x128xi32, #tpu.memory_space<vmem>> -> memref<128xi32, #tpu.memory_space<vmem>>
        %dma_wait3A_86 = arith.constant 0 : i32
        %dma_wait3A_87 = tpu.memref_slice %arg11[%dma_wait3A_86] : memref<1050624xf32, #tpu.memory_space<vmem_shared>> -> memref<1050624xf32, #tpu.memory_space<vmem_shared>>
        tpu.wait_indirect_dma semaphore(%arg13 : memref<!tpu.dma_semaphore, #tpu.memory_space<semaphore_mem>>) src(%arg9 : memref<128xf32, #tpu.memory_space<vmem>>) dst(%dma_wait3A_87 : memref<1050624xf32, #tpu.memory_space<vmem_shared>>)
      }
      %scan3A_66 = arith.constant 32 : i32
      %barrier3A_67 = arith.constant 0 : index
      tpu.barrier barrier_id(%barrier3A_67)
      %scan3A_68 = arith.constant 0 : i32
      %scan3A_69 = arith.constant 32 : i32
      %scan3A_70 = arith.addi %scan3A_68, %scan3A_69 : i32
      %scan3A_71 = arith.constant 1 : i32
      scf.for %scan3A_79 = %scan3A_68 to %scan3A_70 step %scan3A_71  : i32 {
        %mul3A_80 = arith.constant 1 : i32
        %mul3A_81 = arith.muli %scan3A_79, %mul3A_80 : i32
        %add3A_82 = arith.constant 0 : i32
        %add3A_83 = arith.addi %add3A_82, %mul3A_81 : i32
        %mul3A_84 = arith.constant 32 : i32
        %mul3A_85 = arith.muli %arg1, %mul3A_84 : i32
        %add3A_86 = arith.addi %mul3A_85, %add3A_83 : i32
        %mul3A_87 = arith.constant 2048 : i32
        %mul3A_88 = arith.muli %add3A_86, %mul3A_87 : i32
        %add3A_89 = arith.addi %add3A_36, %add3A_86 : i32
        %dma_start3A = arith.constant 0 : i32
        %dma_start3A_90 = tpu.memref_slice %arg3[%add3A_89, %dma_start3A] : memref<2048x2048xf32, #tpu.memory_space<hbm>> -> memref<1x2048xf32, #tpu.memory_space<hbm>>
        %dma_start3A_91 = tpu.memref_squeeze %dma_start3A_90 : memref<1x2048xf32, #tpu.memory_space<hbm>> -> memref<2048xf32, #tpu.memory_space<hbm>>
        %dma_start3A_92 = tpu.memref_slice %arg11[%mul3A_88] : memref<1050624xf32, #tpu.memory_space<vmem_shared>> -> memref<2048xf32, #tpu.memory_space<vmem_shared>>
        tpu.enqueue_dma source(%dma_start3A_92 : memref<2048xf32, #tpu.memory_space<vmem_shared>>) target(%dma_start3A_91 : memref<2048xf32, #tpu.memory_space<hbm>>) target_semaphore(%arg13 : memref<!tpu.dma_semaphore, #tpu.memory_space<semaphore_mem>>)
      }
      %scan3A_72 = arith.constant 32 : i32
      %scan3A_73 = arith.constant 0 : i32
      %scan3A_74 = arith.constant 32 : i32
      %scan3A_75 = arith.addi %scan3A_73, %scan3A_74 : i32
      %scan3A_76 = arith.constant 1 : i32
      scf.for %scan3A_79 = %scan3A_73 to %scan3A_75 step %scan3A_76  : i32 {
        %mul3A_80 = arith.constant 1 : i32
        %mul3A_81 = arith.muli %scan3A_79, %mul3A_80 : i32
        %add3A_82 = arith.constant 0 : i32
        %add3A_83 = arith.addi %add3A_82, %mul3A_81 : i32
        %mul3A_84 = arith.constant 32 : i32
        %mul3A_85 = arith.muli %arg1, %mul3A_84 : i32
        %add3A_86 = arith.addi %mul3A_85, %add3A_83 : i32
        %mul3A_87 = arith.constant 2048 : i32
        %mul3A_88 = arith.muli %add3A_86, %mul3A_87 : i32
        %add3A_89 = arith.addi %add3A_36, %add3A_86 : i32
        %dma_wait3A = arith.constant 0 : i32
        %dma_wait3A_90 = tpu.memref_slice %arg3[%add3A_89, %dma_wait3A] : memref<2048x2048xf32, #tpu.memory_space<hbm>> -> memref<1x2048xf32, #tpu.memory_space<hbm>>
        %dma_wait3A_91 = tpu.memref_squeeze %dma_wait3A_90 : memref<1x2048xf32, #tpu.memory_space<hbm>> -> memref<2048xf32, #tpu.memory_space<hbm>>
        %dma_wait3A_92 = tpu.memref_slice %arg11[%mul3A_88] : memref<1050624xf32, #tpu.memory_space<vmem_shared>> -> memref<2048xf32, #tpu.memory_space<vmem_shared>>
        tpu.wait_dma2 semaphore(%arg13 : memref<!tpu.dma_semaphore, #tpu.memory_space<semaphore_mem>>) src(%dma_wait3A_92 : memref<2048xf32, #tpu.memory_space<vmem_shared>>) dst(%dma_wait3A_91 : memref<2048xf32, #tpu.memory_space<hbm>>)
      }
      %scan3A_77 = arith.constant 32 : i32
      %barrier3A_78 = arith.constant 0 : index
      tpu.barrier barrier_id(%barrier3A_78)
    }
    %scan3A_22 = arith.constant 2 : i32
    %eq3A_23 = arith.constant 0 : i32
    %eq3A_24 = arith.cmpi eq, %arg1, %eq3A_23 : i32
    %convert_element_type3A_25 = arith.extui %eq3A_24 : i1 to i32
    %cond3A_26 = arith.constant 0 : i32
    %cond3A_27 = arith.cmpi ne, %convert_element_type3A_25, %cond3A_26 : i32
    scf.if %cond3A_27 {
      %mul3A_28 = arith.constant 1024 : i32
      %mul3A_29 = arith.muli %arg0, %mul3A_28 : i32
      %run_scoped3A_30 = arith.constant 0 : i32
      "tpu.region"() ({
        %run_scoped3A_31 = tpu.sem_alloc : memref<!tpu.dma_semaphore, #tpu.memory_space<semaphore_mem>>
        %dma_start3A = tpu.memref_slice %arg4[%run_scoped3A_30, %mul3A_29] : memref<8x2048xf32, #tpu.memory_space<hbm>> -> memref<1x1024xf32, #tpu.memory_space<hbm>>
        %dma_start3A_32 = tpu.memref_squeeze %dma_start3A : memref<1x1024xf32, #tpu.memory_space<hbm>> -> memref<1024xf32, #tpu.memory_space<hbm>>
        %dma_start3A_33 = arith.constant 0 : i32
        %dma_start3A_34 = tpu.memref_slice %arg12[%dma_start3A_33] : memref<2048xf32, #tpu.memory_space<vmem_shared>> -> memref<1024xf32, #tpu.memory_space<vmem_shared>>
        tpu.enqueue_dma source(%dma_start3A_34 : memref<1024xf32, #tpu.memory_space<vmem_shared>>) target(%dma_start3A_32 : memref<1024xf32, #tpu.memory_space<hbm>>) target_semaphore(%run_scoped3A_31 : memref<!tpu.dma_semaphore, #tpu.memory_space<semaphore_mem>>)
        %dma_wait3A = tpu.memref_slice %arg4[%run_scoped3A_30, %mul3A_29] : memref<8x2048xf32, #tpu.memory_space<hbm>> -> memref<1x1024xf32, #tpu.memory_space<hbm>>
        %dma_wait3A_35 = tpu.memref_squeeze %dma_wait3A : memref<1x1024xf32, #tpu.memory_space<hbm>> -> memref<1024xf32, #tpu.memory_space<hbm>>
        %dma_wait3A_36 = arith.constant 0 : i32
        %dma_wait3A_37 = tpu.memref_slice %arg12[%dma_wait3A_36] : memref<2048xf32, #tpu.memory_space<vmem_shared>> -> memref<1024xf32, #tpu.memory_space<vmem_shared>>
        tpu.wait_dma2 semaphore(%run_scoped3A_31 : memref<!tpu.dma_semaphore, #tpu.memory_space<semaphore_mem>>) src(%dma_wait3A_37 : memref<1024xf32, #tpu.memory_space<vmem_shared>>) dst(%dma_wait3A_35 : memref<1024xf32, #tpu.memory_space<hbm>>)
        tpu.yield
      }) : () -> ()
    } else {
    }
    return
  }
}

module attributes {stable_mosaic.version = 14 : i64} {
  func.func @_tc_body(%arg0: i32, %arg1: i32, %arg2: memref<256x2048xf32, #tpu.memory_space<vmem>>, %arg3: memref<2048x128xf32, #tpu.memory_space<vmem>>, %arg4: memref<256x128xf32, #tpu.memory_space<vmem>>, %arg5: memref<8x2048xf32, #tpu.memory_space<vmem>>, %arg6: memref<128x1024xf32, #tpu.memory_space<vmem>>, %arg7: memref<1x1024xf32, #tpu.memory_space<vmem>>, %arg8: memref<128x32xf32, #tpu.memory_space<vmem>>, %arg9: memref<1x32xf32, #tpu.memory_space<vmem>>, %arg10: memref<128x32xf32, #tpu.memory_space<vmem>>, %arg11: memref<1x32xf32, #tpu.memory_space<vmem>>, %arg12: memref<32x512xf32, #tpu.memory_space<vmem>>, %arg13: memref<1x512xf32, #tpu.memory_space<vmem>>, %arg14: memref<32x32xf32, #tpu.memory_space<vmem>>, %arg15: memref<1x32xf32, #tpu.memory_space<vmem>>, %arg16: memref<32x32xf32, #tpu.memory_space<vmem>>, %arg17: memref<1x32xf32, #tpu.memory_space<vmem>>, %arg18: memref<32x32xf32, #tpu.memory_space<vmem>>, %arg19: memref<1x32xf32, #tpu.memory_space<vmem>>, %arg20: memref<32x32xf32, #tpu.memory_space<vmem>>, %arg21: memref<1x32xf32, #tpu.memory_space<vmem>>, %arg22: memref<32x10xf32, #tpu.memory_space<vmem>>, %arg23: memref<1x10xf32, #tpu.memory_space<vmem>>, %arg24: memref<1x10xf32, #tpu.memory_space<vmem>>, %arg25: memref<1x1xf32, #tpu.memory_space<vmem>>, %arg26: memref<1x1xf32, #tpu.memory_space<vmem>>, %arg27: memref<2048x1024xbf16, #tpu.memory_space<vmem>>, %arg28: memref<1024x2048xbf16, #tpu.memory_space<vmem>>, %arg29: memref<2048x2048xbf16, #tpu.memory_space<vmem>>, %arg30: memref<2048x1024xbf16, #tpu.memory_space<vmem>>, %arg31: memref<2048x32xbf16, #tpu.memory_space<vmem>>, %arg32: memref<1024x32xf32, #tpu.memory_space<vmem>>, %arg33: memref<1024x1024xf32, #tpu.memory_space<vmem>>, %arg34: memref<1x1xf32, #tpu.memory_space<vmem>>, %arg35: memref<1x1xf32, #tpu.memory_space<vmem>>, %arg36: memref<1x1xf32, #tpu.memory_space<vmem>>) attributes {dimension_semantics = [#tpu.dimension_semantics<arbitrary>, #tpu.dimension_semantics<arbitrary>], iteration_bounds = array<i64: 3, 8>, scalar_prefetch = 0 : i64, scratch_operands = 10 : i64, tpu.core_type = #tpu.core_type<tc>, window_params = [{transform_indices = @transform_0, window_bounds = array<i64: 256, 2048>}, {pipeline_mode = #tpu.pipeline_mode<synchronous>, transform_indices = @transform_1, window_bounds = array<i64: 2048, 128>}, {transform_indices = @transform_2, window_bounds = array<i64: 256, 128>}, {pipeline_mode = #tpu.pipeline_mode<synchronous>, transform_indices = @transform_3, window_bounds = array<i64: 8, 2048>}, {pipeline_mode = #tpu.pipeline_mode<synchronous>, transform_indices = @transform_4, window_bounds = array<i64: 128, 1024>}, {pipeline_mode = #tpu.pipeline_mode<synchronous>, transform_indices = @transform_5, window_bounds = array<i64: 1, 1024>}, {pipeline_mode = #tpu.pipeline_mode<synchronous>, transform_indices = @transform_6, window_bounds = array<i64: 128, 32>}, {pipeline_mode = #tpu.pipeline_mode<synchronous>, transform_indices = @transform_7, window_bounds = array<i64: 1, 32>}, {pipeline_mode = #tpu.pipeline_mode<synchronous>, transform_indices = @transform_8, window_bounds = array<i64: 128, 32>}, {pipeline_mode = #tpu.pipeline_mode<synchronous>, transform_indices = @transform_9, window_bounds = array<i64: 1, 32>}, {pipeline_mode = #tpu.pipeline_mode<synchronous>, transform_indices = @transform_10, window_bounds = array<i64: 32, 512>}, {pipeline_mode = #tpu.pipeline_mode<synchronous>, transform_indices = @transform_11, window_bounds = array<i64: 1, 512>}, {pipeline_mode = #tpu.pipeline_mode<synchronous>, transform_indices = @transform_12, window_bounds = array<i64: 32, 32>}, {pipeline_mode = #tpu.pipeline_mode<synchronous>, transform_indices = @transform_13, window_bounds = array<i64: 1, 32>}, {pipeline_mode = #tpu.pipeline_mode<synchronous>, transform_indices = @transform_14, window_bounds = array<i64: 32, 32>}, {pipeline_mode = #tpu.pipeline_mode<synchronous>, transform_indices = @transform_15, window_bounds = array<i64: 1, 32>}, {pipeline_mode = #tpu.pipeline_mode<synchronous>, transform_indices = @transform_16, window_bounds = array<i64: 32, 32>}, {pipeline_mode = #tpu.pipeline_mode<synchronous>, transform_indices = @transform_17, window_bounds = array<i64: 1, 32>}, {pipeline_mode = #tpu.pipeline_mode<synchronous>, transform_indices = @transform_18, window_bounds = array<i64: 32, 32>}, {pipeline_mode = #tpu.pipeline_mode<synchronous>, transform_indices = @transform_19, window_bounds = array<i64: 1, 32>}, {pipeline_mode = #tpu.pipeline_mode<synchronous>, transform_indices = @transform_20, window_bounds = array<i64: 32, 10>}, {pipeline_mode = #tpu.pipeline_mode<synchronous>, transform_indices = @transform_21, window_bounds = array<i64: 1, 10>}, {pipeline_mode = #tpu.pipeline_mode<synchronous>, transform_indices = @transform_22, window_bounds = array<i64: 1, 10>}, {pipeline_mode = #tpu.pipeline_mode<synchronous>, transform_indices = @transform_23, window_bounds = array<i64: 1, 1>}, {pipeline_mode = #tpu.pipeline_mode<synchronous>, transform_indices = @transform_24, window_bounds = array<i64: 1, 1>}]} {
    %eq3A = arith.constant 0 : i32
    %eq3A_0 = arith.cmpi eq, %arg0, %eq3A : i32
    %eq3A_1 = arith.constant 0 : i32
    %eq3A_2 = arith.cmpi eq, %arg1, %eq3A_1 : i32
    %and3A = arith.andi %eq3A_0, %eq3A_2 : i1
    %convert_element_type3A = arith.extui %and3A : i1 to i32
    %cond3A = arith.constant 0 : i32
    %cond3A_3 = arith.cmpi ne, %convert_element_type3A, %cond3A : i32
    scf.if %cond3A_3 {
      %broadcast_in_dim3A = arith.constant 0.000000e+00 : f32
      %broadcast_in_dim3A_22 = vector.broadcast %broadcast_in_dim3A : f32 to vector<1x1xf32>
      %swap3A = arith.constant 0 : index
      %swap3A_23 = arith.constant 0 : index
      %swap3A_24 = vector.load %arg34[%swap3A, %swap3A_23] : memref<1x1xf32, #tpu.memory_space<vmem>>, vector<1x1xf32>
      tpu.vector_store %arg34[%swap3A, %swap3A_23], %broadcast_in_dim3A_22 {strides = array<i32>} : memref<1x1xf32, #tpu.memory_space<vmem>>, vector<1x1xf32>,
      %broadcast_in_dim3A_25 = arith.constant 0.000000e+00 : f32
      %broadcast_in_dim3A_26 = vector.broadcast %broadcast_in_dim3A_25 : f32 to vector<1x1xf32>
      %swap3A_27 = arith.constant 0 : index
      %swap3A_28 = arith.constant 0 : index
      %swap3A_29 = vector.load %arg35[%swap3A_27, %swap3A_28] : memref<1x1xf32, #tpu.memory_space<vmem>>, vector<1x1xf32>
      tpu.vector_store %arg35[%swap3A_27, %swap3A_28], %broadcast_in_dim3A_26 {strides = array<i32>} : memref<1x1xf32, #tpu.memory_space<vmem>>, vector<1x1xf32>,
      %broadcast_in_dim3A_30 = arith.constant 0.000000e+00 : f32
      %broadcast_in_dim3A_31 = vector.broadcast %broadcast_in_dim3A_30 : f32 to vector<1x1xf32>
      %swap3A_32 = arith.constant 0 : index
      %swap3A_33 = arith.constant 0 : index
      %swap3A_34 = vector.load %arg36[%swap3A_32, %swap3A_33] : memref<1x1xf32, #tpu.memory_space<vmem>>, vector<1x1xf32>
      tpu.vector_store %arg36[%swap3A_32, %swap3A_33], %broadcast_in_dim3A_31 {strides = array<i32>} : memref<1x1xf32, #tpu.memory_space<vmem>>, vector<1x1xf32>,
    } else {
    }
    %eq3A_4 = arith.constant 0 : i32
    %eq3A_5 = arith.cmpi eq, %arg0, %eq3A_4 : i32
    %convert_element_type3A_6 = arith.extui %eq3A_5 : i1 to i32
    %cond3A_7 = arith.constant 0 : i32
    %cond3A_8 = arith.cmpi ne, %convert_element_type3A_6, %cond3A_7 : i32
    scf.if %cond3A_8 {
      %get3A = arith.constant 0 : index
      %get3A_22 = arith.constant 0 : index
      %get3A_23 = vector.load %arg2[%get3A, %get3A_22] : memref<256x2048xf32, #tpu.memory_space<vmem>>, vector<256x2048xf32>
      %get3A_24 = arith.constant 0 : index
      %get3A_25 = arith.constant 0 : index
      %get3A_26 = vector.load %arg5[%get3A_24, %get3A_25] : memref<8x2048xf32, #tpu.memory_space<vmem>>, vector<1x2048xf32>
      %add3A = arith.constant 1.000000e+00 : f32
      %add3A_27 = vector.broadcast %add3A : f32 to vector<1x2048xf32>
      %add3A_28 = arith.addf %get3A_26, %add3A_27 : vector<1x2048xf32>
      %rsqrt3A = math.rsqrt %add3A_28 : vector<1x2048xf32>
      %mul3A = arith.constant 256 : i32
      %mul3A_29 = arith.muli %arg1, %mul3A : i32
      %get3A_30 = arith.constant 0 : index
      %get3A_31 = arith.index_cast %mul3A_29 : i32 to index
      %get3A_32 = vector.load %arg5[%get3A_30, %get3A_31] : memref<8x2048xf32, #tpu.memory_space<vmem>>, vector<1x256xf32>
      %transpose3A = tpu.transpose %get3A_32, [1, 0] : vector<1x256xf32> -> vector<256x1xf32>
      %add3A_33 = arith.constant 1.000000e+00 : f32
      %add3A_34 = vector.broadcast %add3A_33 : f32 to vector<256x1xf32>
      %add3A_35 = arith.addf %transpose3A, %add3A_34 : vector<256x1xf32>
      %rsqrt3A_36 = math.rsqrt %add3A_35 : vector<256x1xf32>
      %get3A_37 = arith.constant 0 : index
      %get3A_38 = arith.constant 0 : index
      %get3A_39 = vector.load %arg34[%get3A_37, %get3A_38] : memref<1x1xf32, #tpu.memory_space<vmem>>, vector<1x1xf32>
      %mul3A_40 = arith.mulf %get3A_23, %get3A_23 : vector<256x2048xf32>
      %reduce_sum3A = vector.shape_cast %mul3A_40 : vector<256x2048xf32> to vector<1x256x2048xf32>
      %reduce_sum3A_41 = arith.constant dense<0.000000e+00> : vector<1xf32>
      %reduce_sum3A_42 = vector.multi_reduction <add>, %reduce_sum3A, %reduce_sum3A_41 [1, 2] : vector<1x256x2048xf32> to vector<1xf32>
      %reduce_sum3A_43 = vector.shape_cast %reduce_sum3A_42 : vector<1xf32> to vector<1x1x1xf32>
      %reduce_sum3A_44 = vector.extract %reduce_sum3A_43[0, 0, 0] : f32 from vector<1x1x1xf32>
      %add3A_45 = vector.broadcast %reduce_sum3A_44 : f32 to vector<1x1xf32>
      %add3A_46 = arith.addf %get3A_39, %add3A_45 : vector<1x1xf32>
      %swap3A = arith.constant 0 : index
      %swap3A_47 = arith.constant 0 : index
      %swap3A_48 = vector.load %arg34[%swap3A, %swap3A_47] : memref<1x1xf32, #tpu.memory_space<vmem>>, vector<1x1xf32>
      tpu.vector_store %arg34[%swap3A, %swap3A_47], %add3A_46 {strides = array<i32>} : memref<1x1xf32, #tpu.memory_space<vmem>>, vector<1x1xf32>,
      %convert_element_type3A_49 = arith.truncf %get3A_23 : vector<256x2048xf32> to vector<256x2048xbf16>
      %mul3A_50 = arith.constant 256 : i32
      %mul3A_51 = arith.muli %arg1, %mul3A_50 : i32
      %swap3A_52 = arith.index_cast %mul3A_51 : i32 to index
      %swap3A_53 = arith.constant 0 : index
      %swap3A_54 = vector.load %arg29[%swap3A_52, %swap3A_53] : memref<2048x2048xbf16, #tpu.memory_space<vmem>>, vector<256x2048xbf16>
      tpu.vector_store %arg29[%swap3A_52, %swap3A_53], %convert_element_type3A_49 {strides = array<i32>} : memref<2048x2048xbf16, #tpu.memory_space<vmem>>, vector<256x2048xbf16>,
      %mul3A_55 = vector.broadcast %rsqrt3A : vector<1x2048xf32> to vector<256x2048xf32>
      %mul3A_56 = arith.mulf %get3A_23, %mul3A_55 : vector<256x2048xf32>
      %convert_element_type3A_57 = arith.truncf %mul3A_56 : vector<256x2048xf32> to vector<256x2048xbf16>
      %get3A_58 = arith.constant 0 : index
      %get3A_59 = arith.constant 0 : index
      %get3A_60 = vector.load %arg3[%get3A_58, %get3A_59] : memref<2048x128xf32, #tpu.memory_space<vmem>>, vector<2048x128xf32>
      %convert_element_type3A_61 = arith.truncf %get3A_60 : vector<2048x128xf32> to vector<2048x128xbf16>
      %dot_general3A = arith.constant dense<0.000000e+00> : vector<256x128xf32>
      %dot_general3A_62 = tpu.matmul %convert_element_type3A_57, %convert_element_type3A_61, %dot_general3A {dimension_numbers = #tpu.dot_dimension_numbers<[1], [0], [0], [1], [0, 0, 1, 1], [], []>, transpose_lhs_hint = false} : vector<256x2048xbf16>, vector<2048x128xbf16>, vector<256x128xf32> -> vector<256x128xf32>
      %get3A_63 = arith.constant 0 : index
      %get3A_64 = arith.constant 0 : index
      %get3A_65 = vector.load %arg4[%get3A_63, %get3A_64] : memref<256x128xf32, #tpu.memory_space<vmem>>, vector<256x128xf32>
      %mul3A_66 = vector.broadcast %rsqrt3A_36 : vector<256x1xf32> to vector<256x128xf32>
      %mul3A_67 = arith.mulf %mul3A_66, %get3A_65 : vector<256x128xf32>
      %add3A_68 = arith.addf %dot_general3A_62, %mul3A_67 : vector<256x128xf32>
      %get3A_69 = arith.constant 0 : index
      %get3A_70 = arith.constant 0 : index
      %get3A_71 = vector.load %arg6[%get3A_69, %get3A_70] : memref<128x1024xf32, #tpu.memory_space<vmem>>, vector<128x1024xf32>
      %dot_general3A_72 = arith.constant dense<0.000000e+00> : vector<256x1024xf32>
      %dot_general3A_73 = tpu.matmul %add3A_68, %get3A_71, %dot_general3A_72 {dimension_numbers = #tpu.dot_dimension_numbers<[1], [0], [0], [1], [0, 0, 1, 1], [], []>, transpose_lhs_hint = false} : vector<256x128xf32>, vector<128x1024xf32>, vector<256x1024xf32> -> vector<256x1024xf32>
      %mul3A_74 = vector.broadcast %rsqrt3A_36 : vector<256x1xf32> to vector<256x1024xf32>
      %mul3A_75 = arith.mulf %mul3A_74, %dot_general3A_73 : vector<256x1024xf32>
      %get3A_76 = arith.constant 0 : index
      %get3A_77 = arith.constant 0 : index
      %get3A_78 = vector.load %arg7[%get3A_76, %get3A_77] : memref<1x1024xf32, #tpu.memory_space<vmem>>, vector<1x1024xf32>
      %add3A_79 = vector.broadcast %get3A_78 : vector<1x1024xf32> to vector<256x1024xf32>
      %add3A_80 = arith.addf %mul3A_75, %add3A_79 : vector<256x1024xf32>
      %reduce_max3A = arith.constant dense<0xFF800000> : vector<256xf32>
      %reduce_max3A_81 = vector.multi_reduction <maximumf>, %add3A_80, %reduce_max3A [1] : vector<256x1024xf32> to vector<256xf32>
      %broadcast_in_dim3A = vector.shape_cast %reduce_max3A_81 : vector<256xf32> to vector<256x1xf32>
      %sub3A = vector.broadcast %broadcast_in_dim3A : vector<256x1xf32> to vector<256x1024xf32>
      %sub3A_82 = arith.subf %add3A_80, %sub3A : vector<256x1024xf32>
      %exp3A = math.exp %sub3A_82 : vector<256x1024xf32>
      %reduce_sum3A_83 = arith.constant dense<0.000000e+00> : vector<256xf32>
      %reduce_sum3A_84 = vector.multi_reduction <add>, %exp3A, %reduce_sum3A_83 [1] : vector<256x1024xf32> to vector<256xf32>
      %broadcast_in_dim3A_85 = vector.shape_cast %reduce_sum3A_84 : vector<256xf32> to vector<256x1xf32>
      %div3A = vector.broadcast %broadcast_in_dim3A_85 : vector<256x1xf32> to vector<256x1024xf32>
      %div3A_86 = arith.divf %exp3A, %div3A : vector<256x1024xf32>
      %convert_element_type3A_87 = arith.truncf %div3A_86 : vector<256x1024xf32> to vector<256x1024xbf16>
      %transpose3A_88 = tpu.transpose %convert_element_type3A_87, [1, 0] : vector<256x1024xbf16> -> vector<1024x256xbf16>
      %mul3A_89 = arith.constant 256 : i32
      %mul3A_90 = arith.muli %arg1, %mul3A_89 : i32
      %swap3A_91 = arith.index_cast %mul3A_90 : i32 to index
      %swap3A_92 = arith.constant 0 : index
      %swap3A_93 = vector.load %arg27[%swap3A_91, %swap3A_92] : memref<2048x1024xbf16, #tpu.memory_space<vmem>>, vector<256x1024xbf16>
      tpu.vector_store %arg27[%swap3A_91, %swap3A_92], %convert_element_type3A_87 {strides = array<i32>} : memref<2048x1024xbf16, #tpu.memory_space<vmem>>, vector<256x1024xbf16>,
      %mul3A_94 = arith.constant 256 : i32
      %mul3A_95 = arith.muli %arg1, %mul3A_94 : i32
      %swap3A_96 = arith.constant 0 : index
      %swap3A_97 = arith.index_cast %mul3A_95 : i32 to index
      %swap3A_98 = vector.load %arg28[%swap3A_96, %swap3A_97] : memref<1024x2048xbf16, #tpu.memory_space<vmem>>, vector<1024x256xbf16>
      tpu.vector_store %arg28[%swap3A_96, %swap3A_97], %transpose3A_88 {strides = array<i32>} : memref<1024x2048xbf16, #tpu.memory_space<vmem>>, vector<1024x256xbf16>,
      %get3A_99 = arith.constant 0 : index
      %get3A_100 = arith.constant 0 : index
      %get3A_101 = vector.load %arg35[%get3A_99, %get3A_100] : memref<1x1xf32, #tpu.memory_space<vmem>>, vector<1x1xf32>
      %log3A = math.log %broadcast_in_dim3A_85 : vector<256x1xf32>
      %add3A_102 = arith.addf %broadcast_in_dim3A, %log3A : vector<256x1xf32>
      %reduce_sum3A_103 = vector.shape_cast %add3A_102 : vector<256x1xf32> to vector<1x256x1xf32>
      %reduce_sum3A_104 = arith.constant dense<0.000000e+00> : vector<1xf32>
      %reduce_sum3A_105 = vector.multi_reduction <add>, %reduce_sum3A_103, %reduce_sum3A_104 [1, 2] : vector<1x256x1xf32> to vector<1xf32>
      %reduce_sum3A_106 = vector.shape_cast %reduce_sum3A_105 : vector<1xf32> to vector<1x1x1xf32>
      %reduce_sum3A_107 = vector.extract %reduce_sum3A_106[0, 0, 0] : f32 from vector<1x1x1xf32>
      %mul3A_108 = arith.mulf %div3A_86, %add3A_80 : vector<256x1024xf32>
      %reduce_sum3A_109 = vector.shape_cast %mul3A_108 : vector<256x1024xf32> to vector<1x256x1024xf32>
      %reduce_sum3A_110 = arith.constant dense<0.000000e+00> : vector<1xf32>
      %reduce_sum3A_111 = vector.multi_reduction <add>, %reduce_sum3A_109, %reduce_sum3A_110 [1, 2] : vector<1x256x1024xf32> to vector<1xf32>
      %reduce_sum3A_112 = vector.shape_cast %reduce_sum3A_111 : vector<1xf32> to vector<1x1x1xf32>
      %reduce_sum3A_113 = vector.extract %reduce_sum3A_112[0, 0, 0] : f32 from vector<1x1x1xf32>
      %sub3A_114 = arith.subf %reduce_sum3A_107, %reduce_sum3A_113 : f32
      %add3A_115 = vector.broadcast %sub3A_114 : f32 to vector<1x1xf32>
      %add3A_116 = arith.addf %get3A_101, %add3A_115 : vector<1x1xf32>
      %swap3A_117 = arith.constant 0 : index
      %swap3A_118 = arith.constant 0 : index
      %swap3A_119 = vector.load %arg35[%swap3A_117, %swap3A_118] : memref<1x1xf32, #tpu.memory_space<vmem>>, vector<1x1xf32>
      tpu.vector_store %arg35[%swap3A_117, %swap3A_118], %add3A_116 {strides = array<i32>} : memref<1x1xf32, #tpu.memory_space<vmem>>, vector<1x1xf32>,
      %get3A_120 = arith.constant 0 : index
      %get3A_121 = arith.constant 0 : index
      %get3A_122 = vector.load %arg8[%get3A_120, %get3A_121] : memref<128x32xf32, #tpu.memory_space<vmem>>, vector<128x32xf32>
      %dot_general3A_123 = arith.constant dense<0.000000e+00> : vector<256x32xf32>
      %dot_general3A_124 = tpu.matmul %add3A_68, %get3A_122, %dot_general3A_123 {dimension_numbers = #tpu.dot_dimension_numbers<[1], [0], [0], [1], [0, 0, 1, 1], [], []>, transpose_lhs_hint = false} : vector<256x128xf32>, vector<128x32xf32>, vector<256x32xf32> -> vector<256x32xf32>
      %mul3A_125 = vector.broadcast %rsqrt3A_36 : vector<256x1xf32> to vector<256x32xf32>
      %mul3A_126 = arith.mulf %mul3A_125, %dot_general3A_124 : vector<256x32xf32>
      %get3A_127 = arith.constant 0 : index
      %get3A_128 = arith.constant 0 : index
      %get3A_129 = vector.load %arg9[%get3A_127, %get3A_128] : memref<1x32xf32, #tpu.memory_space<vmem>>, vector<1x32xf32>
      %add3A_130 = vector.broadcast %get3A_129 : vector<1x32xf32> to vector<256x32xf32>
      %add3A_131 = arith.addf %mul3A_126, %add3A_130 : vector<256x32xf32>
      %get3A_132 = arith.constant 0 : index
      %get3A_133 = arith.constant 0 : index
      %get3A_134 = vector.load %arg4[%get3A_132, %get3A_133] : memref<256x128xf32, #tpu.memory_space<vmem>>, vector<256x128xf32>
      %get3A_135 = arith.constant 0 : index
      %get3A_136 = arith.constant 0 : index
      %get3A_137 = vector.load %arg10[%get3A_135, %get3A_136] : memref<128x32xf32, #tpu.memory_space<vmem>>, vector<128x32xf32>
      %dot_general3A_138 = arith.constant dense<0.000000e+00> : vector<256x32xf32>
      %dot_general3A_139 = tpu.matmul %get3A_134, %get3A_137, %dot_general3A_138 {dimension_numbers = #tpu.dot_dimension_numbers<[1], [0], [0], [1], [0, 0, 1, 1], [], []>, transpose_lhs_hint = false} : vector<256x128xf32>, vector<128x32xf32>, vector<256x32xf32> -> vector<256x32xf32>
      %add3A_140 = arith.addf %add3A_131, %dot_general3A_139 : vector<256x32xf32>
      %get3A_141 = arith.constant 0 : index
      %get3A_142 = arith.constant 0 : index
      %get3A_143 = vector.load %arg11[%get3A_141, %get3A_142] : memref<1x32xf32, #tpu.memory_space<vmem>>, vector<1x32xf32>
      %add3A_144 = vector.broadcast %get3A_143 : vector<1x32xf32> to vector<256x32xf32>
      %add3A_145 = arith.addf %add3A_140, %add3A_144 : vector<256x32xf32>
      %max3A = arith.constant 0.000000e+00 : f32
      %max3A_146 = vector.broadcast %max3A : f32 to vector<256x32xf32>
      %max3A_147 = arith.maximumf %add3A_145, %max3A_146 : vector<256x32xf32>
      %convert_element_type3A_148 = arith.truncf %max3A_147 : vector<256x32xf32> to vector<256x32xbf16>
      %mul3A_149 = arith.constant 256 : i32
      %mul3A_150 = arith.muli %arg1, %mul3A_149 : i32
      %swap3A_151 = arith.index_cast %mul3A_150 : i32 to index
      %swap3A_152 = arith.constant 0 : index
      %swap3A_153 = vector.load %arg31[%swap3A_151, %swap3A_152] : memref<2048x32xbf16, #tpu.memory_space<vmem>>, vector<256x32xbf16>
      tpu.vector_store %arg31[%swap3A_151, %swap3A_152], %convert_element_type3A_148 {strides = array<i32>} : memref<2048x32xbf16, #tpu.memory_space<vmem>>, vector<256x32xbf16>,
      %eq3A_154 = arith.constant 7 : i32
      %eq3A_155 = arith.cmpi eq, %arg1, %eq3A_154 : i32
      %convert_element_type3A_156 = arith.extui %eq3A_155 : i1 to i32
      %cond3A_157 = arith.constant 0 : i32
      %cond3A_158 = arith.cmpi ne, %convert_element_type3A_156, %cond3A_157 : i32
      scf.if %cond3A_158 {
        %get3A_159 = arith.constant 0 : index
        %get3A_160 = arith.constant 0 : index
        %get3A_161 = vector.load %arg28[%get3A_159, %get3A_160] : memref<1024x2048xbf16, #tpu.memory_space<vmem>>, vector<1024x2048xbf16>
        %get3A_162 = arith.constant 0 : index
        %get3A_163 = arith.constant 0 : index
        %get3A_164 = vector.load %arg27[%get3A_162, %get3A_163] : memref<2048x1024xbf16, #tpu.memory_space<vmem>>, vector<2048x1024xbf16>
        %dot_general3A_165 = arith.constant dense<0.000000e+00> : vector<1024x1024xf32>
        %dot_general3A_166 = tpu.matmul %get3A_161, %get3A_164, %dot_general3A_165 {dimension_numbers = #tpu.dot_dimension_numbers<[1], [0], [0], [1], [0, 0, 1, 1], [], []>, transpose_lhs_hint = false} : vector<1024x2048xbf16>, vector<2048x1024xbf16>, vector<1024x1024xf32> -> vector<1024x1024xf32>
        %get3A_167 = arith.constant 0 : index
        %get3A_168 = arith.constant 0 : index
        %get3A_169 = vector.load %arg36[%get3A_167, %get3A_168] : memref<1x1xf32, #tpu.memory_space<vmem>>, vector<1x1xf32>
        %mul3A_170 = arith.mulf %dot_general3A_166, %dot_general3A_166 : vector<1024x1024xf32>
        %reduce_sum3A_171 = vector.shape_cast %mul3A_170 : vector<1024x1024xf32> to vector<1x1024x1024xf32>
        %reduce_sum3A_172 = arith.constant dense<0.000000e+00> : vector<1xf32>
        %reduce_sum3A_173 = vector.multi_reduction <add>, %reduce_sum3A_171, %reduce_sum3A_172 [1, 2] : vector<1x1024x1024xf32> to vector<1xf32>
        %reduce_sum3A_174 = vector.shape_cast %reduce_sum3A_173 : vector<1xf32> to vector<1x1x1xf32>
        %reduce_sum3A_175 = vector.extract %reduce_sum3A_174[0, 0, 0] : f32 from vector<1x1x1xf32>
        %add3A_176 = vector.broadcast %reduce_sum3A_175 : f32 to vector<1x1xf32>
        %add3A_177 = arith.addf %get3A_169, %add3A_176 : vector<1x1xf32>
        %swap3A_178 = arith.constant 0 : index
        %swap3A_179 = arith.constant 0 : index
        %swap3A_180 = vector.load %arg36[%swap3A_178, %swap3A_179] : memref<1x1xf32, #tpu.memory_space<vmem>>, vector<1x1xf32>
        tpu.vector_store %arg36[%swap3A_178, %swap3A_179], %add3A_177 {strides = array<i32>} : memref<1x1xf32, #tpu.memory_space<vmem>>, vector<1x1xf32>,
        %get3A_181 = arith.constant 0 : index
        %get3A_182 = arith.constant 0 : index
        %get3A_183 = vector.load %arg28[%get3A_181, %get3A_182] : memref<1024x2048xbf16, #tpu.memory_space<vmem>>, vector<1024x2048xbf16>
        %get3A_184 = arith.constant 0 : index
        %get3A_185 = arith.constant 0 : index
        %get3A_186 = vector.load %arg31[%get3A_184, %get3A_185] : memref<2048x32xbf16, #tpu.memory_space<vmem>>, vector<2048x32xbf16>
        %dot_general3A_187 = arith.constant dense<0.000000e+00> : vector<1024x32xf32>
        %dot_general3A_188 = tpu.matmul %get3A_183, %get3A_186, %dot_general3A_187 {dimension_numbers = #tpu.dot_dimension_numbers<[1], [0], [0], [1], [0, 0, 1, 1], [], []>, transpose_lhs_hint = false} : vector<1024x2048xbf16>, vector<2048x32xbf16>, vector<1024x32xf32> -> vector<1024x32xf32>
        %swap3A_189 = arith.constant 0 : index
        %swap3A_190 = arith.constant 0 : index
        %swap3A_191 = vector.load %arg32[%swap3A_189, %swap3A_190] : memref<1024x32xf32, #tpu.memory_space<vmem>>, vector<1024x32xf32>
        tpu.vector_store %arg32[%swap3A_189, %swap3A_190], %dot_general3A_188 {strides = array<i32>} : memref<1024x32xf32, #tpu.memory_space<vmem>>, vector<1024x32xf32>,
      } else {
      }
    } else {
    }
    %eq3A_9 = arith.constant 1 : i32
    %eq3A_10 = arith.cmpi eq, %arg0, %eq3A_9 : i32
    %convert_element_type3A_11 = arith.extui %eq3A_10 : i1 to i32
    %cond3A_12 = arith.constant 0 : i32
    %cond3A_13 = arith.cmpi ne, %convert_element_type3A_11, %cond3A_12 : i32
    scf.if %cond3A_13 {
      %mul3A = arith.constant 256 : i32
      %mul3A_22 = arith.muli %arg1, %mul3A : i32
      %get3A = arith.index_cast %mul3A_22 : i32 to index
      %get3A_23 = arith.constant 0 : index
      %get3A_24 = vector.load %arg29[%get3A, %get3A_23] : memref<2048x2048xbf16, #tpu.memory_space<vmem>>, vector<256x2048xbf16>
      %get3A_25 = arith.constant 0 : index
      %get3A_26 = arith.constant 0 : index
      %get3A_27 = vector.load %arg27[%get3A_25, %get3A_26] : memref<2048x1024xbf16, #tpu.memory_space<vmem>>, vector<2048x1024xbf16>
      %dot_general3A = arith.constant dense<0.000000e+00> : vector<256x1024xf32>
      %dot_general3A_28 = tpu.matmul %get3A_24, %get3A_27, %dot_general3A {dimension_numbers = #tpu.dot_dimension_numbers<[1], [0], [0], [1], [0, 0, 1, 1], [], []>, transpose_lhs_hint = false} : vector<256x2048xbf16>, vector<2048x1024xbf16>, vector<256x1024xf32> -> vector<256x1024xf32>
      %convert_element_type3A_29 = arith.truncf %dot_general3A_28 : vector<256x1024xf32> to vector<256x1024xbf16>
      %mul3A_30 = arith.constant 256 : i32
      %mul3A_31 = arith.muli %arg1, %mul3A_30 : i32
      %swap3A = arith.index_cast %mul3A_31 : i32 to index
      %swap3A_32 = arith.constant 0 : index
      %swap3A_33 = vector.load %arg30[%swap3A, %swap3A_32] : memref<2048x1024xbf16, #tpu.memory_space<vmem>>, vector<256x1024xbf16>
      tpu.vector_store %arg30[%swap3A, %swap3A_32], %convert_element_type3A_29 {strides = array<i32>} : memref<2048x1024xbf16, #tpu.memory_space<vmem>>, vector<256x1024xbf16>,
      %eq3A_34 = arith.constant 7 : i32
      %eq3A_35 = arith.cmpi eq, %arg1, %eq3A_34 : i32
      %convert_element_type3A_36 = arith.extui %eq3A_35 : i1 to i32
      %cond3A_37 = arith.constant 0 : i32
      %cond3A_38 = arith.cmpi ne, %convert_element_type3A_36, %cond3A_37 : i32
      scf.if %cond3A_38 {
        %get3A_39 = arith.constant 0 : index
        %get3A_40 = arith.constant 0 : index
        %get3A_41 = vector.load %arg28[%get3A_39, %get3A_40] : memref<1024x2048xbf16, #tpu.memory_space<vmem>>, vector<1024x2048xbf16>
        %get3A_42 = arith.constant 0 : index
        %get3A_43 = arith.constant 0 : index
        %get3A_44 = vector.load %arg30[%get3A_42, %get3A_43] : memref<2048x1024xbf16, #tpu.memory_space<vmem>>, vector<2048x1024xbf16>
        %dot_general3A_45 = arith.constant dense<0.000000e+00> : vector<1024x1024xf32>
        %dot_general3A_46 = tpu.matmul %get3A_41, %get3A_44, %dot_general3A_45 {dimension_numbers = #tpu.dot_dimension_numbers<[1], [0], [0], [1], [0, 0, 1, 1], [], []>, transpose_lhs_hint = false} : vector<1024x2048xbf16>, vector<2048x1024xbf16>, vector<1024x1024xf32> -> vector<1024x1024xf32>
        %swap3A_47 = arith.constant 0 : index
        %swap3A_48 = arith.constant 0 : index
        %swap3A_49 = vector.load %arg33[%swap3A_47, %swap3A_48] : memref<1024x1024xf32, #tpu.memory_space<vmem>>, vector<1024x1024xf32>
        tpu.vector_store %arg33[%swap3A_47, %swap3A_48], %dot_general3A_46 {strides = array<i32>} : memref<1024x1024xf32, #tpu.memory_space<vmem>>, vector<1024x1024xf32>,
      } else {
      }
    } else {
    }
    %eq3A_14 = arith.constant 2 : i32
    %eq3A_15 = arith.cmpi eq, %arg0, %eq3A_14 : i32
    %eq3A_16 = arith.constant 0 : i32
    %eq3A_17 = arith.cmpi eq, %arg1, %eq3A_16 : i32
    %and3A_18 = arith.andi %eq3A_15, %eq3A_17 : i1
    %convert_element_type3A_19 = arith.extui %and3A_18 : i1 to i32
    %cond3A_20 = arith.constant 0 : i32
    %cond3A_21 = arith.cmpi ne, %convert_element_type3A_19, %cond3A_20 : i32
    scf.if %cond3A_21 {
      %get3A = arith.constant 0 : index
      %get3A_22 = arith.constant 0 : index
      %get3A_23 = vector.load %arg33[%get3A, %get3A_22] : memref<1024x1024xf32, #tpu.memory_space<vmem>>, vector<1024x1024xf32>
      %iota3A = tpu.iota {dimensions = array<i32: 0>} : vector<1024x1024xi32>
      %iota3A_24 = tpu.iota {dimensions = array<i32: 1>} : vector<1024x1024xi32>
      %eq3A_25 = arith.cmpi eq, %iota3A, %iota3A_24 : vector<1024x1024xi32>
      %jit3A = arith.constant 0.000000e+00 : f32
      %broadcast_in_dim3A = vector.broadcast %jit3A : f32 to vector<1024x1024xf32>
      %select_n3A = arith.select %eq3A_25, %get3A_23, %broadcast_in_dim3A : vector<1024x1024xi1>, vector<1024x1024xf32>
      %reduce_sum3A = vector.shape_cast %select_n3A : vector<1024x1024xf32> to vector<1x1024x1024xf32>
      %reduce_sum3A_26 = arith.constant dense<0.000000e+00> : vector<1xf32>
      %reduce_sum3A_27 = vector.multi_reduction <add>, %reduce_sum3A, %reduce_sum3A_26 [1, 2] : vector<1x1024x1024xf32> to vector<1xf32>
      %reduce_sum3A_28 = vector.shape_cast %reduce_sum3A_27 : vector<1xf32> to vector<1x1x1xf32>
      %reduce_sum3A_29 = vector.extract %reduce_sum3A_28[0, 0, 0] : f32 from vector<1x1x1xf32>
      %get3A_30 = arith.constant 0 : index
      %get3A_31 = arith.constant 0 : index
      %get3A_32 = vector.load %arg34[%get3A_30, %get3A_31] : memref<1x1xf32, #tpu.memory_space<vmem>>, vector<1x1xf32>
      %get3A_33 = vector.extract %get3A_32[0, 0] : f32 from vector<1x1xf32>
      %mul3A = arith.constant 2.000000e+00 : f32
      %mul3A_34 = arith.mulf %mul3A, %reduce_sum3A_29 : f32
      %sub3A = arith.subf %get3A_33, %mul3A_34 : f32
      %get3A_35 = arith.constant 0 : index
      %get3A_36 = arith.constant 0 : index
      %get3A_37 = vector.load %arg36[%get3A_35, %get3A_36] : memref<1x1xf32, #tpu.memory_space<vmem>>, vector<1x1xf32>
      %get3A_38 = vector.extract %get3A_37[0, 0] : f32 from vector<1x1xf32>
      %add3A = arith.addf %sub3A, %get3A_38 : f32
      %max3A = arith.constant 0.000000e+00 : f32
      %max3A_39 = arith.maximumf %add3A, %max3A : f32
      %sqrt3A = math.sqrt %max3A_39 : f32
      %mul3A_40 = arith.constant 2.048000e+03 : f32
      %mul3A_41 = arith.constant 2.048000e+03 : f32
      %mul3A_42 = arith.mulf %mul3A_40, %mul3A_41 : f32
      %div3A = arith.divf %sqrt3A, %mul3A_42 : f32
      %get3A_43 = arith.constant 0 : index
      %get3A_44 = arith.constant 0 : index
      %get3A_45 = vector.load %arg35[%get3A_43, %get3A_44] : memref<1x1xf32, #tpu.memory_space<vmem>>, vector<1x1xf32>
      %get3A_46 = vector.extract %get3A_45[0, 0] : f32 from vector<1x1xf32>
      %div3A_47 = arith.constant 2.048000e+03 : f32
      %div3A_48 = arith.divf %get3A_46, %div3A_47 : f32
      %get3A_49 = arith.constant 0 : index
      %get3A_50 = arith.constant 0 : index
      %get3A_51 = vector.load %arg32[%get3A_49, %get3A_50] : memref<1024x32xf32, #tpu.memory_space<vmem>>, vector<1024x32xf32>
      %reduce_sum3A_52 = arith.constant dense<0.000000e+00> : vector<1024xf32>
      %reduce_sum3A_53 = vector.multi_reduction <add>, %get3A_23, %reduce_sum3A_52 [1] : vector<1024x1024xf32> to vector<1024xf32>
      %broadcast_in_dim3A_54 = vector.shape_cast %reduce_sum3A_53 : vector<1024xf32> to vector<1024x1xf32>
      %add3A_55 = arith.constant 1.000000e+00 : f32
      %add3A_56 = vector.broadcast %add3A_55 : f32 to vector<1024x1xf32>
      %add3A_57 = arith.addf %broadcast_in_dim3A_54, %add3A_56 : vector<1024x1xf32>
      %rsqrt3A = math.rsqrt %add3A_57 : vector<1024x1xf32>
      %mul3A_58 = vector.broadcast %rsqrt3A : vector<1024x1xf32> to vector<1024x32xf32>
      %mul3A_59 = arith.mulf %mul3A_58, %get3A_51 : vector<1024x32xf32>
      %dot_general3A = arith.constant dense<0.000000e+00> : vector<1024x32xf32>
      %dot_general3A_60 = tpu.matmul %get3A_23, %mul3A_59, %dot_general3A {dimension_numbers = #tpu.dot_dimension_numbers<[1], [0], [0], [1], [0, 0, 1, 1], [], []>, transpose_lhs_hint = false} : vector<1024x1024xf32>, vector<1024x32xf32>, vector<1024x32xf32> -> vector<1024x32xf32>
      %add3A_61 = arith.addf %dot_general3A_60, %mul3A_59 : vector<1024x32xf32>
      %get3A_62 = arith.constant 0 : index
      %get3A_63 = arith.constant 0 : index
      %get3A_64 = vector.load %arg12[%get3A_62, %get3A_63] : memref<32x512xf32, #tpu.memory_space<vmem>>, vector<32x512xf32>
      %dot_general3A_65 = arith.constant dense<0.000000e+00> : vector<1024x512xf32>
      %dot_general3A_66 = tpu.matmul %add3A_61, %get3A_64, %dot_general3A_65 {dimension_numbers = #tpu.dot_dimension_numbers<[1], [0], [0], [1], [0, 0, 1, 1], [], []>, transpose_lhs_hint = false} : vector<1024x32xf32>, vector<32x512xf32>, vector<1024x512xf32> -> vector<1024x512xf32>
      %mul3A_67 = vector.broadcast %rsqrt3A : vector<1024x1xf32> to vector<1024x512xf32>
      %mul3A_68 = arith.mulf %mul3A_67, %dot_general3A_66 : vector<1024x512xf32>
      %get3A_69 = arith.constant 0 : index
      %get3A_70 = arith.constant 0 : index
      %get3A_71 = vector.load %arg13[%get3A_69, %get3A_70] : memref<1x512xf32, #tpu.memory_space<vmem>>, vector<1x512xf32>
      %add3A_72 = vector.broadcast %get3A_71 : vector<1x512xf32> to vector<1024x512xf32>
      %add3A_73 = arith.addf %mul3A_68, %add3A_72 : vector<1024x512xf32>
      %reduce_max3A = arith.constant dense<0xFF800000> : vector<1024xf32>
      %reduce_max3A_74 = vector.multi_reduction <maximumf>, %add3A_73, %reduce_max3A [1] : vector<1024x512xf32> to vector<1024xf32>
      %broadcast_in_dim3A_75 = vector.shape_cast %reduce_max3A_74 : vector<1024xf32> to vector<1024x1xf32>
      %sub3A_76 = vector.broadcast %broadcast_in_dim3A_75 : vector<1024x1xf32> to vector<1024x512xf32>
      %sub3A_77 = arith.subf %add3A_73, %sub3A_76 : vector<1024x512xf32>
      %exp3A = math.exp %sub3A_77 : vector<1024x512xf32>
      %reduce_sum3A_78 = arith.constant dense<0.000000e+00> : vector<1024xf32>
      %reduce_sum3A_79 = vector.multi_reduction <add>, %exp3A, %reduce_sum3A_78 [1] : vector<1024x512xf32> to vector<1024xf32>
      %broadcast_in_dim3A_80 = vector.shape_cast %reduce_sum3A_79 : vector<1024xf32> to vector<1024x1xf32>
      %div3A_81 = vector.broadcast %broadcast_in_dim3A_80 : vector<1024x1xf32> to vector<1024x512xf32>
      %div3A_82 = arith.divf %exp3A, %div3A_81 : vector<1024x512xf32>
      %convert_element_type3A_83 = arith.truncf %div3A_82 : vector<1024x512xf32> to vector<1024x512xbf16>
      %log3A = math.log %broadcast_in_dim3A_80 : vector<1024x1xf32>
      %add3A_84 = arith.addf %broadcast_in_dim3A_75, %log3A : vector<1024x1xf32>
      %reduce_sum3A_85 = vector.shape_cast %add3A_84 : vector<1024x1xf32> to vector<1x1024x1xf32>
      %reduce_sum3A_86 = arith.constant dense<0.000000e+00> : vector<1xf32>
      %reduce_sum3A_87 = vector.multi_reduction <add>, %reduce_sum3A_85, %reduce_sum3A_86 [1, 2] : vector<1x1024x1xf32> to vector<1xf32>
      %reduce_sum3A_88 = vector.shape_cast %reduce_sum3A_87 : vector<1xf32> to vector<1x1x1xf32>
      %reduce_sum3A_89 = vector.extract %reduce_sum3A_88[0, 0, 0] : f32 from vector<1x1x1xf32>
      %mul3A_90 = arith.mulf %div3A_82, %add3A_73 : vector<1024x512xf32>
      %reduce_sum3A_91 = vector.shape_cast %mul3A_90 : vector<1024x512xf32> to vector<1x1024x512xf32>
      %reduce_sum3A_92 = arith.constant dense<0.000000e+00> : vector<1xf32>
      %reduce_sum3A_93 = vector.multi_reduction <add>, %reduce_sum3A_91, %reduce_sum3A_92 [1, 2] : vector<1x1024x512xf32> to vector<1xf32>
      %reduce_sum3A_94 = vector.shape_cast %reduce_sum3A_93 : vector<1xf32> to vector<1x1x1xf32>
      %reduce_sum3A_95 = vector.extract %reduce_sum3A_94[0, 0, 0] : f32 from vector<1x1x1xf32>
      %sub3A_96 = arith.subf %reduce_sum3A_89, %reduce_sum3A_95 : f32
      %div3A_97 = arith.constant 1.024000e+03 : f32
      %div3A_98 = arith.divf %sub3A_96, %div3A_97 : f32
      %get3A_99 = arith.constant 0 : index
      %get3A_100 = arith.constant 0 : index
      %get3A_101 = vector.load %arg14[%get3A_99, %get3A_100] : memref<32x32xf32, #tpu.memory_space<vmem>>, vector<32x32xf32>
      %dot_general3A_102 = arith.constant dense<0.000000e+00> : vector<1024x32xf32>
      %dot_general3A_103 = tpu.matmul %add3A_61, %get3A_101, %dot_general3A_102 {dimension_numbers = #tpu.dot_dimension_numbers<[1], [0], [0], [1], [0, 0, 1, 1], [], []>, transpose_lhs_hint = false} : vector<1024x32xf32>, vector<32x32xf32>, vector<1024x32xf32> -> vector<1024x32xf32>
      %mul3A_104 = vector.broadcast %rsqrt3A : vector<1024x1xf32> to vector<1024x32xf32>
      %mul3A_105 = arith.mulf %mul3A_104, %dot_general3A_103 : vector<1024x32xf32>
      %get3A_106 = arith.constant 0 : index
      %get3A_107 = arith.constant 0 : index
      %get3A_108 = vector.load %arg15[%get3A_106, %get3A_107] : memref<1x32xf32, #tpu.memory_space<vmem>>, vector<1x32xf32>
      %add3A_109 = vector.broadcast %get3A_108 : vector<1x32xf32> to vector<1024x32xf32>
      %add3A_110 = arith.addf %mul3A_105, %add3A_109 : vector<1024x32xf32>
      %get3A_111 = arith.constant 0 : index
      %get3A_112 = arith.constant 0 : index
      %get3A_113 = vector.load %arg16[%get3A_111, %get3A_112] : memref<32x32xf32, #tpu.memory_space<vmem>>, vector<32x32xf32>
      %dot_general3A_114 = arith.constant dense<0.000000e+00> : vector<1024x32xf32>
      %dot_general3A_115 = tpu.matmul %get3A_51, %get3A_113, %dot_general3A_114 {dimension_numbers = #tpu.dot_dimension_numbers<[1], [0], [0], [1], [0, 0, 1, 1], [], []>, transpose_lhs_hint = false} : vector<1024x32xf32>, vector<32x32xf32>, vector<1024x32xf32> -> vector<1024x32xf32>
      %add3A_116 = arith.addf %add3A_110, %dot_general3A_115 : vector<1024x32xf32>
      %get3A_117 = arith.constant 0 : index
      %get3A_118 = arith.constant 0 : index
      %get3A_119 = vector.load %arg17[%get3A_117, %get3A_118] : memref<1x32xf32, #tpu.memory_space<vmem>>, vector<1x32xf32>
      %add3A_120 = vector.broadcast %get3A_119 : vector<1x32xf32> to vector<1024x32xf32>
      %add3A_121 = arith.addf %add3A_116, %add3A_120 : vector<1024x32xf32>
      %max3A_122 = arith.constant 0.000000e+00 : f32
      %max3A_123 = vector.broadcast %max3A_122 : f32 to vector<1024x32xf32>
      %max3A_124 = arith.maximumf %add3A_121, %max3A_123 : vector<1024x32xf32>
      %convert_element_type3A_125 = arith.truncf %get3A_23 : vector<1024x1024xf32> to vector<1024x1024xbf16>
      %dot_general3A_126 = arith.constant dense<0.000000e+00> : vector<1024x512xf32>
      %dot_general3A_127 = tpu.matmul %convert_element_type3A_125, %convert_element_type3A_83, %dot_general3A_126 {dimension_numbers = #tpu.dot_dimension_numbers<[1], [0], [0], [1], [0, 0, 1, 1], [], []>, transpose_lhs_hint = false} : vector<1024x1024xbf16>, vector<1024x512xbf16>, vector<1024x512xf32> -> vector<1024x512xf32>
      %convert_element_type3A_128 = arith.truncf %max3A_124 : vector<1024x32xf32> to vector<1024x32xbf16>
      %dot_general3A_129 = arith.constant dense<0.000000e+00> : vector<512x32xf32>
      %dot_general3A_130 = tpu.matmul %convert_element_type3A_83, %convert_element_type3A_128, %dot_general3A_129 {dimension_numbers = #tpu.dot_dimension_numbers<[0], [0], [1], [1], [0, 1, 1, 1], [], []>, transpose_lhs_hint = false} : vector<1024x512xbf16>, vector<1024x32xbf16>, vector<512x32xf32> -> vector<512x32xf32>
      %convert_element_type3A_131 = arith.truncf %dot_general3A_127 : vector<1024x512xf32> to vector<1024x512xbf16>
      %dot_general3A_132 = arith.constant dense<0.000000e+00> : vector<512x512xf32>
      %dot_general3A_133 = tpu.matmul %convert_element_type3A_83, %convert_element_type3A_131, %dot_general3A_132 {dimension_numbers = #tpu.dot_dimension_numbers<[0], [0], [1], [1], [0, 1, 1, 1], [], []>, transpose_lhs_hint = false} : vector<1024x512xbf16>, vector<1024x512xbf16>, vector<512x512xf32> -> vector<512x512xf32>
      %dot_general3A_134 = arith.constant dense<0.000000e+00> : vector<512x512xf32>
      %dot_general3A_135 = tpu.matmul %convert_element_type3A_83, %convert_element_type3A_83, %dot_general3A_134 {dimension_numbers = #tpu.dot_dimension_numbers<[0], [0], [1], [1], [0, 1, 1, 1], [], []>, transpose_lhs_hint = false} : vector<1024x512xbf16>, vector<1024x512xbf16>, vector<512x512xf32> -> vector<512x512xf32>
      %iota3A_136 = tpu.iota {dimensions = array<i32: 0>} : vector<512x512xi32>
      %iota3A_137 = tpu.iota {dimensions = array<i32: 1>} : vector<512x512xi32>
      %eq3A_138 = arith.cmpi eq, %iota3A_136, %iota3A_137 : vector<512x512xi32>
      %jit3A_139 = arith.constant 0.000000e+00 : f32
      %broadcast_in_dim3A_140 = vector.broadcast %jit3A_139 : f32 to vector<512x512xf32>
      %select_n3A_141 = arith.select %eq3A_138, %dot_general3A_133, %broadcast_in_dim3A_140 : vector<512x512xi1>, vector<512x512xf32>
      %reduce_sum3A_142 = vector.shape_cast %select_n3A_141 : vector<512x512xf32> to vector<1x512x512xf32>
      %reduce_sum3A_143 = arith.constant dense<0.000000e+00> : vector<1xf32>
      %reduce_sum3A_144 = vector.multi_reduction <add>, %reduce_sum3A_142, %reduce_sum3A_143 [1, 2] : vector<1x512x512xf32> to vector<1xf32>
      %reduce_sum3A_145 = vector.shape_cast %reduce_sum3A_144 : vector<1xf32> to vector<1x1x1xf32>
      %reduce_sum3A_146 = vector.extract %reduce_sum3A_145[0, 0, 0] : f32 from vector<1x1x1xf32>
      %mul3A_147 = arith.mulf %get3A_23, %get3A_23 : vector<1024x1024xf32>
      %reduce_sum3A_148 = vector.shape_cast %mul3A_147 : vector<1024x1024xf32> to vector<1x1024x1024xf32>
      %reduce_sum3A_149 = arith.constant dense<0.000000e+00> : vector<1xf32>
      %reduce_sum3A_150 = vector.multi_reduction <add>, %reduce_sum3A_148, %reduce_sum3A_149 [1, 2] : vector<1x1024x1024xf32> to vector<1xf32>
      %reduce_sum3A_151 = vector.shape_cast %reduce_sum3A_150 : vector<1xf32> to vector<1x1x1xf32>
      %reduce_sum3A_152 = vector.extract %reduce_sum3A_151[0, 0, 0] : f32 from vector<1x1x1xf32>
      %mul3A_153 = arith.constant 2.000000e+00 : f32
      %mul3A_154 = arith.mulf %mul3A_153, %reduce_sum3A_146 : f32
      %sub3A_155 = arith.subf %reduce_sum3A_152, %mul3A_154 : f32
      %mul3A_156 = arith.mulf %dot_general3A_135, %dot_general3A_135 : vector<512x512xf32>
      %reduce_sum3A_157 = vector.shape_cast %mul3A_156 : vector<512x512xf32> to vector<1x512x512xf32>
      %reduce_sum3A_158 = arith.constant dense<0.000000e+00> : vector<1xf32>
      %reduce_sum3A_159 = vector.multi_reduction <add>, %reduce_sum3A_157, %reduce_sum3A_158 [1, 2] : vector<1x512x512xf32> to vector<1xf32>
      %reduce_sum3A_160 = vector.shape_cast %reduce_sum3A_159 : vector<1xf32> to vector<1x1x1xf32>
      %reduce_sum3A_161 = vector.extract %reduce_sum3A_160[0, 0, 0] : f32 from vector<1x1x1xf32>
      %add3A_162 = arith.addf %sub3A_155, %reduce_sum3A_161 : f32
      %max3A_163 = arith.constant 0.000000e+00 : f32
      %max3A_164 = arith.maximumf %add3A_162, %max3A_163 : f32
      %sqrt3A_165 = math.sqrt %max3A_164 : f32
      %mul3A_166 = arith.constant 1.024000e+03 : f32
      %mul3A_167 = arith.constant 1.024000e+03 : f32
      %mul3A_168 = arith.mulf %mul3A_166, %mul3A_167 : f32
      %div3A_169 = arith.divf %sqrt3A_165, %mul3A_168 : f32
      %reduce_sum3A_170 = arith.constant dense<0.000000e+00> : vector<512xf32>
      %reduce_sum3A_171 = vector.multi_reduction <add>, %dot_general3A_133, %reduce_sum3A_170 [1] : vector<512x512xf32> to vector<512xf32>
      %broadcast_in_dim3A_172 = vector.shape_cast %reduce_sum3A_171 : vector<512xf32> to vector<512x1xf32>
      %add3A_173 = arith.constant 1.000000e+00 : f32
      %add3A_174 = vector.broadcast %add3A_173 : f32 to vector<512x1xf32>
      %add3A_175 = arith.addf %broadcast_in_dim3A_172, %add3A_174 : vector<512x1xf32>
      %rsqrt3A_176 = math.rsqrt %add3A_175 : vector<512x1xf32>
      %mul3A_177 = vector.broadcast %rsqrt3A_176 : vector<512x1xf32> to vector<512x32xf32>
      %mul3A_178 = arith.mulf %mul3A_177, %dot_general3A_130 : vector<512x32xf32>
      %dot_general3A_179 = arith.constant dense<0.000000e+00> : vector<512x32xf32>
      %dot_general3A_180 = tpu.matmul %dot_general3A_133, %mul3A_178, %dot_general3A_179 {dimension_numbers = #tpu.dot_dimension_numbers<[1], [0], [0], [1], [0, 0, 1, 1], [], []>, transpose_lhs_hint = false} : vector<512x512xf32>, vector<512x32xf32>, vector<512x32xf32> -> vector<512x32xf32>
      %add3A_181 = arith.addf %dot_general3A_180, %mul3A_178 : vector<512x32xf32>
      %get3A_182 = arith.constant 0 : index
      %get3A_183 = arith.constant 0 : index
      %get3A_184 = vector.load %arg18[%get3A_182, %get3A_183] : memref<32x32xf32, #tpu.memory_space<vmem>>, vector<32x32xf32>
      %dot_general3A_185 = arith.constant dense<0.000000e+00> : vector<512x32xf32>
      %dot_general3A_186 = tpu.matmul %add3A_181, %get3A_184, %dot_general3A_185 {dimension_numbers = #tpu.dot_dimension_numbers<[1], [0], [0], [1], [0, 0, 1, 1], [], []>, transpose_lhs_hint = false} : vector<512x32xf32>, vector<32x32xf32>, vector<512x32xf32> -> vector<512x32xf32>
      %mul3A_187 = vector.broadcast %rsqrt3A_176 : vector<512x1xf32> to vector<512x32xf32>
      %mul3A_188 = arith.mulf %mul3A_187, %dot_general3A_186 : vector<512x32xf32>
      %get3A_189 = arith.constant 0 : index
      %get3A_190 = arith.constant 0 : index
      %get3A_191 = vector.load %arg19[%get3A_189, %get3A_190] : memref<1x32xf32, #tpu.memory_space<vmem>>, vector<1x32xf32>
      %add3A_192 = vector.broadcast %get3A_191 : vector<1x32xf32> to vector<512x32xf32>
      %add3A_193 = arith.addf %mul3A_188, %add3A_192 : vector<512x32xf32>
      %get3A_194 = arith.constant 0 : index
      %get3A_195 = arith.constant 0 : index
      %get3A_196 = vector.load %arg20[%get3A_194, %get3A_195] : memref<32x32xf32, #tpu.memory_space<vmem>>, vector<32x32xf32>
      %dot_general3A_197 = arith.constant dense<0.000000e+00> : vector<512x32xf32>
      %dot_general3A_198 = tpu.matmul %dot_general3A_130, %get3A_196, %dot_general3A_197 {dimension_numbers = #tpu.dot_dimension_numbers<[1], [0], [0], [1], [0, 0, 1, 1], [], []>, transpose_lhs_hint = false} : vector<512x32xf32>, vector<32x32xf32>, vector<512x32xf32> -> vector<512x32xf32>
      %add3A_199 = arith.addf %add3A_193, %dot_general3A_198 : vector<512x32xf32>
      %get3A_200 = arith.constant 0 : index
      %get3A_201 = arith.constant 0 : index
      %get3A_202 = vector.load %arg21[%get3A_200, %get3A_201] : memref<1x32xf32, #tpu.memory_space<vmem>>, vector<1x32xf32>
      %add3A_203 = vector.broadcast %get3A_202 : vector<1x32xf32> to vector<512x32xf32>
      %add3A_204 = arith.addf %add3A_199, %add3A_203 : vector<512x32xf32>
      %max3A_205 = arith.constant 0.000000e+00 : f32
      %max3A_206 = vector.broadcast %max3A_205 : f32 to vector<512x32xf32>
      %max3A_207 = arith.maximumf %add3A_204, %max3A_206 : vector<512x32xf32>
      %reduce_sum3A_208 = arith.constant dense<0.000000e+00> : vector<32xf32>
      %reduce_sum3A_209 = vector.multi_reduction <add>, %max3A_207, %reduce_sum3A_208 [0] : vector<512x32xf32> to vector<32xf32>
      %broadcast_in_dim3A_210 = vector.shape_cast %reduce_sum3A_209 : vector<32xf32> to vector<1x32xf32>
      %div3A_211 = arith.constant 5.120000e+02 : f32
      %div3A_212 = vector.broadcast %div3A_211 : f32 to vector<1x32xf32>
      %div3A_213 = arith.divf %broadcast_in_dim3A_210, %div3A_212 : vector<1x32xf32>
      %get3A_214 = arith.constant 0 : index
      %get3A_215 = arith.constant 0 : index
      %get3A_216 = vector.load %arg22[%get3A_214, %get3A_215] : memref<32x10xf32, #tpu.memory_space<vmem>>, vector<32x10xf32>
      %dot_general3A_217 = arith.constant dense<0.000000e+00> : vector<1x10xf32>
      %dot_general3A_218 = tpu.matmul %div3A_213, %get3A_216, %dot_general3A_217 {dimension_numbers = #tpu.dot_dimension_numbers<[1], [0], [0], [1], [0, 0, 1, 1], [], []>, transpose_lhs_hint = false} : vector<1x32xf32>, vector<32x10xf32>, vector<1x10xf32> -> vector<1x10xf32>
      %get3A_219 = arith.constant 0 : index
      %get3A_220 = arith.constant 0 : index
      %get3A_221 = vector.load %arg23[%get3A_219, %get3A_220] : memref<1x10xf32, #tpu.memory_space<vmem>>, vector<1x10xf32>
      %add3A_222 = arith.addf %dot_general3A_218, %get3A_221 : vector<1x10xf32>
      %swap3A = arith.constant 0 : index
      %swap3A_223 = arith.constant 0 : index
      %swap3A_224 = vector.load %arg24[%swap3A, %swap3A_223] : memref<1x10xf32, #tpu.memory_space<vmem>>, vector<1x10xf32>
      tpu.vector_store %arg24[%swap3A, %swap3A_223], %add3A_222 {strides = array<i32>} : memref<1x10xf32, #tpu.memory_space<vmem>>, vector<1x10xf32>,
      %broadcast_in_dim3A_225 = arith.constant 0.000000e+00 : f32
      %broadcast_in_dim3A_226 = vector.broadcast %broadcast_in_dim3A_225 : f32 to vector<1x1xf32>
      %add3A_227 = arith.addf %div3A, %div3A_169 : f32
      %add3A_228 = vector.broadcast %add3A_227 : f32 to vector<1x1xf32>
      %add3A_229 = arith.addf %broadcast_in_dim3A_226, %add3A_228 : vector<1x1xf32>
      %swap3A_230 = arith.constant 0 : index
      %swap3A_231 = arith.constant 0 : index
      %swap3A_232 = vector.load %arg25[%swap3A_230, %swap3A_231] : memref<1x1xf32, #tpu.memory_space<vmem>>, vector<1x1xf32>
      tpu.vector_store %arg25[%swap3A_230, %swap3A_231], %add3A_229 {strides = array<i32>} : memref<1x1xf32, #tpu.memory_space<vmem>>, vector<1x1xf32>,
      %broadcast_in_dim3A_233 = arith.constant 0.000000e+00 : f32
      %broadcast_in_dim3A_234 = vector.broadcast %broadcast_in_dim3A_233 : f32 to vector<1x1xf32>
      %add3A_235 = arith.addf %div3A_48, %div3A_98 : f32
      %add3A_236 = vector.broadcast %add3A_235 : f32 to vector<1x1xf32>
      %add3A_237 = arith.addf %broadcast_in_dim3A_234, %add3A_236 : vector<1x1xf32>
      %swap3A_238 = arith.constant 0 : index
      %swap3A_239 = arith.constant 0 : index
      %swap3A_240 = vector.load %arg26[%swap3A_238, %swap3A_239] : memref<1x1xf32, #tpu.memory_space<vmem>>, vector<1x1xf32>
      tpu.vector_store %arg26[%swap3A_238, %swap3A_239], %add3A_237 {strides = array<i32>} : memref<1x1xf32, #tpu.memory_space<vmem>>, vector<1x1xf32>,
    } else {
    }
    return
  }
  func.func @transform_0(%arg0: i32, %arg1: i32) -> (i32, i32) {
    %eq3A = arith.constant 0 : i32
    %eq3A_0 = arith.cmpi eq, %arg0, %eq3A : i32
    %jit3A = arith.constant 7 : i32
    %select_n3A = arith.select %eq3A_0, %arg1, %jit3A : i32
    %c0_i32 = arith.constant 0 : i32
    %c0_i32_1 = arith.constant 0 : i32
    return %select_n3A, %c0_i32 : i32, i32
  }
  func.func @transform_1(%arg0: i32, %arg1: i32) -> (i32, i32) {
    %c0_i32 = arith.constant 0 : i32
    %c0_i32_0 = arith.constant 0 : i32
    %c0_i32_1 = arith.constant 0 : i32
    return %c0_i32, %c0_i32_0 : i32, i32
  }
  func.func @transform_2(%arg0: i32, %arg1: i32) -> (i32, i32) {
    %eq3A = arith.constant 0 : i32
    %eq3A_0 = arith.cmpi eq, %arg0, %eq3A : i32
    %jit3A = arith.constant 7 : i32
    %select_n3A = arith.select %eq3A_0, %arg1, %jit3A : i32
    %c0_i32 = arith.constant 0 : i32
    %c0_i32_1 = arith.constant 0 : i32
    return %select_n3A, %c0_i32 : i32, i32
  }
  func.func @transform_3(%arg0: i32, %arg1: i32) -> (i32, i32) {
    %c0_i32 = arith.constant 0 : i32
    %c0_i32_0 = arith.constant 0 : i32
    %c0_i32_1 = arith.constant 0 : i32
    return %c0_i32, %c0_i32_0 : i32, i32
  }
  func.func @transform_4(%arg0: i32, %arg1: i32) -> (i32, i32) {
    %c0_i32 = arith.constant 0 : i32
    %c0_i32_0 = arith.constant 0 : i32
    %c0_i32_1 = arith.constant 0 : i32
    return %c0_i32, %c0_i32_0 : i32, i32
  }
  func.func @transform_5(%arg0: i32, %arg1: i32) -> (i32, i32) {
    %c0_i32 = arith.constant 0 : i32
    %c0_i32_0 = arith.constant 0 : i32
    %c0_i32_1 = arith.constant 0 : i32
    return %c0_i32, %c0_i32_0 : i32, i32
  }
  func.func @transform_6(%arg0: i32, %arg1: i32) -> (i32, i32) {
    %c0_i32 = arith.constant 0 : i32
    %c0_i32_0 = arith.constant 0 : i32
    %c0_i32_1 = arith.constant 0 : i32
    return %c0_i32, %c0_i32_0 : i32, i32
  }
  func.func @transform_7(%arg0: i32, %arg1: i32) -> (i32, i32) {
    %c0_i32 = arith.constant 0 : i32
    %c0_i32_0 = arith.constant 0 : i32
    %c0_i32_1 = arith.constant 0 : i32
    return %c0_i32, %c0_i32_0 : i32, i32
  }
  func.func @transform_8(%arg0: i32, %arg1: i32) -> (i32, i32) {
    %c0_i32 = arith.constant 0 : i32
    %c0_i32_0 = arith.constant 0 : i32
    %c0_i32_1 = arith.constant 0 : i32
    return %c0_i32, %c0_i32_0 : i32, i32
  }
  func.func @transform_9(%arg0: i32, %arg1: i32) -> (i32, i32) {
    %c0_i32 = arith.constant 0 : i32
    %c0_i32_0 = arith.constant 0 : i32
    %c0_i32_1 = arith.constant 0 : i32
    return %c0_i32, %c0_i32_0 : i32, i32
  }
  func.func @transform_10(%arg0: i32, %arg1: i32) -> (i32, i32) {
    %c0_i32 = arith.constant 0 : i32
    %c0_i32_0 = arith.constant 0 : i32
    %c0_i32_1 = arith.constant 0 : i32
    return %c0_i32, %c0_i32_0 : i32, i32
  }
  func.func @transform_11(%arg0: i32, %arg1: i32) -> (i32, i32) {
    %c0_i32 = arith.constant 0 : i32
    %c0_i32_0 = arith.constant 0 : i32
    %c0_i32_1 = arith.constant 0 : i32
    return %c0_i32, %c0_i32_0 : i32, i32
  }
  func.func @transform_12(%arg0: i32, %arg1: i32) -> (i32, i32) {
    %c0_i32 = arith.constant 0 : i32
    %c0_i32_0 = arith.constant 0 : i32
    %c0_i32_1 = arith.constant 0 : i32
    return %c0_i32, %c0_i32_0 : i32, i32
  }
  func.func @transform_13(%arg0: i32, %arg1: i32) -> (i32, i32) {
    %c0_i32 = arith.constant 0 : i32
    %c0_i32_0 = arith.constant 0 : i32
    %c0_i32_1 = arith.constant 0 : i32
    return %c0_i32, %c0_i32_0 : i32, i32
  }
  func.func @transform_14(%arg0: i32, %arg1: i32) -> (i32, i32) {
    %c0_i32 = arith.constant 0 : i32
    %c0_i32_0 = arith.constant 0 : i32
    %c0_i32_1 = arith.constant 0 : i32
    return %c0_i32, %c0_i32_0 : i32, i32
  }
  func.func @transform_15(%arg0: i32, %arg1: i32) -> (i32, i32) {
    %c0_i32 = arith.constant 0 : i32
    %c0_i32_0 = arith.constant 0 : i32
    %c0_i32_1 = arith.constant 0 : i32
    return %c0_i32, %c0_i32_0 : i32, i32
  }
  func.func @transform_16(%arg0: i32, %arg1: i32) -> (i32, i32) {
    %c0_i32 = arith.constant 0 : i32
    %c0_i32_0 = arith.constant 0 : i32
    %c0_i32_1 = arith.constant 0 : i32
    return %c0_i32, %c0_i32_0 : i32, i32
  }
  func.func @transform_17(%arg0: i32, %arg1: i32) -> (i32, i32) {
    %c0_i32 = arith.constant 0 : i32
    %c0_i32_0 = arith.constant 0 : i32
    %c0_i32_1 = arith.constant 0 : i32
    return %c0_i32, %c0_i32_0 : i32, i32
  }
  func.func @transform_18(%arg0: i32, %arg1: i32) -> (i32, i32) {
    %c0_i32 = arith.constant 0 : i32
    %c0_i32_0 = arith.constant 0 : i32
    %c0_i32_1 = arith.constant 0 : i32
    return %c0_i32, %c0_i32_0 : i32, i32
  }
  func.func @transform_19(%arg0: i32, %arg1: i32) -> (i32, i32) {
    %c0_i32 = arith.constant 0 : i32
    %c0_i32_0 = arith.constant 0 : i32
    %c0_i32_1 = arith.constant 0 : i32
    return %c0_i32, %c0_i32_0 : i32, i32
  }
  func.func @transform_20(%arg0: i32, %arg1: i32) -> (i32, i32) {
    %c0_i32 = arith.constant 0 : i32
    %c0_i32_0 = arith.constant 0 : i32
    %c0_i32_1 = arith.constant 0 : i32
    return %c0_i32, %c0_i32_0 : i32, i32
  }
  func.func @transform_21(%arg0: i32, %arg1: i32) -> (i32, i32) {
    %c0_i32 = arith.constant 0 : i32
    %c0_i32_0 = arith.constant 0 : i32
    %c0_i32_1 = arith.constant 0 : i32
    return %c0_i32, %c0_i32_0 : i32, i32
  }
  func.func @transform_22(%arg0: i32, %arg1: i32) -> (i32, i32) {
    %c0_i32 = arith.constant 0 : i32
    %c0_i32_0 = arith.constant 0 : i32
    %c0_i32_1 = arith.constant 0 : i32
    return %c0_i32, %c0_i32_0 : i32, i32
  }
  func.func @transform_23(%arg0: i32, %arg1: i32) -> (i32, i32) {
    %c0_i32 = arith.constant 0 : i32
    %c0_i32_0 = arith.constant 0 : i32
    %c0_i32_1 = arith.constant 0 : i32
    return %c0_i32, %c0_i32_0 : i32, i32
  }
  func.func @transform_24(%arg0: i32, %arg1: i32) -> (i32, i32) {
    %c0_i32 = arith.constant 0 : i32
    %c0_i32_0 = arith.constant 0 : i32
    %c0_i32_1 = arith.constant 0 : i32
    return %c0_i32, %c0_i32_0 : i32, i32
  }
}

</mosaic_0001>

<sc_bundles>
// kernel: kernel.4.cloned.1.call-start
scs
__scs_entry_jumppad:
0x0: {  	(pc) =	sbr.rel $0x88, $3  }
0x1: {  	(tag) =	ssettag $0x0;
	lr =	simm.s32 $0x1  }
0x2: {  	[smem:$0x3F8D] =	sst lr;
	_ =	strace $0xD0000000  }
0x3: {  	_ = 	snop  }
0x4: {  	_ = 	snop  }
0x5: {  	_ = 	snop  }
0x6: {  	_ = 	snop  }
0x7: {  	_ = 	snop  }
__scs_overlays_trampoline_lowered:
0x8: {  	[smem:$0x3F9C] =	sst s0  }
0x9: {  	[smem:$0x3F9D] =	sst s1  }
0xa: {  	[smem:$0x3F9E] =	sst s2  }
0xb: {  	[smem:$0x3F9F] =	sst s3  }
0xc: {  	[smem:$0x3FA0] =	sst s4  }
0xd: {  	[smem:$0x3FA1] =	sst s5  }
0xe: {  	[smem:$0x3FA2] =	sst s6  }
0xf: {  	[smem:$0x3FA3] =	sst s7  }
0x10: {  	[smem:$0x3FA4] =	sst s8  }
0x11: {  	[smem:$0x3FA5] =	sst s9;
	s0 =	simm.s32 @!p0 $0x0  }
0x12: {  	s1 =	sld [smem:$0x3F8B];
	s0 =	simm.s32 @p0 $0x1  }
0x13: {  	[smem:$0x3FA6] =	sst s0;
	s0 =	simm.s32 @!p1 $0x0  }
0x14: {  	s2 =	sld [smem:$0x3F8A];
	s0 =	simm.s32 @p1 $0x1  }
0x15: {  	[smem:$0x3FA7] =	sst s0;
	s0 =	simm.s32 @!p2 $0x0  }
0x16: {  	s3 =	sld [smem:$0x3FDB];
	s0 =	simm.s32 @p2 $0x1  }
0x17: {  	s4 =	simm.s32 $0x1BF5;
	[smem:$0x3FA9] =	sst s0  }
0x18: {  	s0 =	sld [smem:$0x3F8C];
	_ =	swait.ge [sflag:s4], $0x0  }
0x19: {  	s7 =	sld [smem:$0x3F8D]  }
0x1a: {  	s8 =	sadd.s32 $0xFFFFE003, lr  }
0x1b: {  	s9 =	sadd.s32 $0xFFFFFEF7, lr;
	s5 =	simm.s32 $0xFFFFFFFF;
	p2 =	slt.u32 s8, $0xFFFFF086  }
0x1c: {  	p1 =	slt.u32 s9, $0xF7A;
	s5 =	simm.s32 @!p2 $0x0  }
0x1d: {  	s5 =	simm.s32 @p1 $0x1;
	p0 =	seq.s32 s7, s2  }
0x1e: {  	s7 =	smul.u32 @!p0 $0xF7A, s2;
	p2 =	seq.s32 @!p0 s5, $0x0  }
0x1f: {  	s9 =	smul.u32 $0xF7A, s1;
	s8 =	simm.s32 @!p0 $0x1BF5;
	p2 =	por !p2, p0  }
0x20: {  	[sflag:s8] =	ssyncset.s32 @!p0 $0xFFFFF086;
	s6 =	sadd.s32 @!p0 s3, s7;
	s7 =	simm.s32 @!p0 $0x108  }
0x21: {  	s3 =	sadd.s32 s3, s9;
	s6 =	sadd.s32 @!p0 $0x88, s6;
	s7 =	simm.s32 @p2 $0x1082  }
0x22: {  	[simem:s7], [sflag:s8] =	dma.local @!p0 [hbm:s6], $0xF7A  }
0x23: {  	s9 =	sor.u32 $0xD0000000, s2;
	s6 =	simm.s32 $0x108;
	_ =	swait.ge @!p0 [sflag:s8], $0x0  }
0x24: {  	s3 =	sadd.s32 $0x88, s3;
	s6 =	simm.s32 @!p1 $0x1082;
	[sflag:s4] =	ssyncset.s32 $0xFFFFF086  }
0x25: {  	[simem:s6], [sflag:s4] =	dma.local [hbm:s3], $0xF7A  }
0x26: {  	[smem:$0x3F8D] =	sst s1;
	(tag) =	ssettag s2;
	_ =	strace s9  }
0x27: {  	s1 =	sld [smem:$0x3F9D]  }
0x28: {  	s2 =	sld [smem:$0x3F9E]  }
0x29: {  	s4 =	sld [smem:$0x3FA0]  }
0x2a: {  	p0 =	seq.s32 s5, $0x0;
	s5 =	sld [smem:$0x3FA1]  }
0x2b: {  	s6 =	sld [smem:$0x3FA2]  }
0x2c: {  	s7 =	sld [smem:$0x3FA3]  }
0x2d: {  	s3 =	simm.s32 $0x108;
	s8 =	sld [smem:$0x3FA4]  }
0x2e: {  	s3 =	simm.s32 @!p0 $0x1082;
	s9 =	sld [smem:$0x3FA5]  }
0x2f: {  	lr =	sadd.s32 s0, s3;
	s0 =	sld [smem:$0x3F9C]  }
0x30: {  	s3 =	sld [smem:$0x3F9F]  }
0x31: {  	[smem:$0x3FA8] =	sst s10  }
0x32: {  	s10 =	sld [smem:$0x3FA6];
	_ =	sdelay $0x3  }
0x33: {  	p0 =	seq.s32 s10, $0x1;
	s10 =	sld [smem:$0x3FA8];
	_ =	sdelay $0x3  }
0x34: {  	[smem:$0x3FA8] =	sst s10  }
0x35: {  	s10 =	sld [smem:$0x3FA7];
	_ =	sdelay $0x3  }
0x36: {  	p1 =	seq.s32 s10, $0x1;
	s10 =	sld [smem:$0x3FA8];
	_ =	sdelay $0x3  }
0x37: {  	[smem:$0x3FA8] =	sst s10  }
0x38: {  	s10 =	sld [smem:$0x3FA9]  }
0x39: {  	_ = 	snop;
	(pc) =	sbr.ind lr, $3  }
0x3a: {  	_ = 	snop  }
0x3b: {  	_ = 	snop  }
0x3c: {  	p2 =	seq.s32 s10, $0x1;
	s10 =	sld [smem:$0x3FA8]  }
0x3d: {  	_ =	shalt  }
0x3e: {  	_ =	shalt  }
0x3f: {  	_ =	shalt  }
0x40: {  	_ =	shalt  }
0x41: {  	_ =	shalt  }
0x42: {  	_ =	shalt  }
0x43: {  	_ =	shalt  }
0x44: {  	_ =	shalt  }
0x45: {  	_ =	shalt  }
0x46: {  	_ =	shalt  }
0x47: {  	_ =	shalt  }
0x48: {  	_ =	shalt  }
0x49: {  	_ =	shalt  }
0x4a: {  	_ =	shalt  }
0x4b: {  	_ =	shalt  }
0x4c: {  	_ =	shalt  }
0x4d: {  	_ =	shalt  }
0x4e: {  	_ =	shalt  }
0x4f: {  	_ =	shalt  }
0x50: {  	_ =	shalt  }
0x51: {  	_ =	shalt  }
0x52: {  	_ =	shalt  }
0x53: {  	_ =	shalt  }
0x54: {  	_ =	shalt  }
0x55: {  	_ =	shalt  }
0x56: {  	_ =	shalt  }
0x57: {  	_ =	shalt  }
0x58: {  	_ =	shalt  }
0x59: {  	_ =	shalt  }
0x5a: {  	_ =	shalt  }
0x5b: {  	_ =	shalt  }
0x5c: {  	_ =	shalt  }
0x5d: {  	_ =	shalt  }
0x5e: {  	_ =	shalt  }
0x5f: {  	_ =	shalt  }
0x60: {  	_ =	shalt  }
0x61: {  	_ =	shalt  }
0x62: {  	_ =	shalt  }
0x63: {  	_ =	shalt  }
0x64: {  	_ =	shalt  }
0x65: {  	_ =	shalt  }
0x66: {  	_ =	shalt  }
0x67: {  	_ =	shalt  }
0x68: {  	_ =	shalt  }
0x69: {  	_ =	shalt  }
0x6a: {  	_ =	shalt  }
0x6b: {  	_ =	shalt  }
0x6c: {  	_ =	shalt  }
0x6d: {  	_ =	shalt  }
0x6e: {  	_ =	shalt  }
0x6f: {  	_ =	shalt  }
0x70: {  	_ =	shalt  }
0x71: {  	_ =	shalt  }
0x72: {  	_ =	shalt  }
0x73: {  	_ =	shalt  }
0x74: {  	_ =	shalt  }
0x75: {  	_ =	shalt  }
0x76: {  	_ =	shalt  }
0x77: {  	_ =	shalt  }
0x78: {  	_ =	shalt  }
0x79: {  	_ =	shalt  }
0x7a: {  	_ =	shalt  }
0x7b: {  	_ =	shalt  }
0x7c: {  	_ =	shalt  }
0x7d: {  	_ =	shalt  }
0x7e: {  	_ =	shalt  }
0x7f: {  	_ =	shalt  }
0x80: {  	_ =	shalt  }
0x81: {  	_ =	shalt  }
0x82: {  	_ =	shalt  }
0x83: {  	_ =	shalt  }
0x84: {  	_ =	shalt  }
0x85: {  	_ =	shalt  }
0x86: {  	_ =	shalt  }
0x87: {  	_ =	shalt  }
.Lfunc_end0:
.L_simem_size_0:
called_computation_lowered:
.L_overlay_start_0:
0x88: {  	s2 =	sld [smem:$0x3FD9]  }
0x89: {  	s3 =	sld [smem:$0x3FFE];
	_ =	sdelay $0x1  }
0x8a: {  	s1 =	srdreg.scid  }
0x8b: {  	s0 =	sand.u32 $0x1, s1  }
0x8c: {  	s17 =	sshll.u32 s0, $0xA;
	s2 =	sadd.s32 s3, s2  }
0x8d: {  	s2 =	sadd.s32 s2, s17  }
0x8e: {  	[smem:$0x3FB4] =	sst s2  }
0x8f: {  	_ = 	snop  }
0x90: {  	s2 =	sld [smem:$0x3FC8];
	(tm) =	ssettm $0x1  }
0x91: {  	s18 =	sld [smem:$0x3FFB];
	_ =	sdelay $0x3  }
0x92: {  	_ =	strace s18  }
0x93: {  	s3 =	sld [smem:$0x3FFC];
	_ =	sdelay $0x3  }
0x94: {  	_ =	strace s3  }
0x95: {  	s3 =	sld [smem:$0x3FFD];
	_ =	sdelay $0x3  }
0x96: {  	_ =	strace s3  }
0x97: {  	_ =	strace $0x8FFFFFFF  }
0x98: {  	s19 =	sld [smem:$0x3FDB];
	_ =	sdelay $0x1  }
0x99: {  	s4 =	simm.s32 $_scs_section_size  }
0x9a: {  	s5 =	simm.s32 $_size__tile_overlayer_lowered;
	s6 =	simm.s32 $_tile_overlayer_lowered  }
0x9b: {  	s22 =	simm.s32 $0x1BFF;
	s21 =	sshll.u32 s6, $0x1;
	s3 =	sadd.s32 s4, s19  }
0x9c: {  	s7 =	simm.s32 $0x0;
	s20 =	sshll.u32 s5, $0x1;
	s5 =	sadd.s32 s21, s3  }
0x9d: {  	[timem:s7], [sflag:s22] =	dma.local [hbm:s5], s20  }
0x9e: {  	_ =	swait.ge [sflag:s22], s20  }
0x9f: {  	s4 =	ssub.s32 $0x0, s20;
	[sflag:s22] =	ssyncset.done $0x0  }
0xa0: {  	[sflag:s22] =	ssyncadd.s32 s4;
	_ =	sdelay $0x1  }
0xa1: {  	s23 =	simm.s32 $0x1B8B  }
0xa2: {  	_ =	swait.ge [sflag:s23], $0x1  }
0xa3: {  	[sflag:s23] =	ssyncset.done $0x0  }
0xa4: {  	s25 =	simm.s32 $0x1B8E;
	s24 =	sld [smem:$0x3FFE];
	[sflag:s23] =	ssyncadd.s32 $0xFFFFFFFF  }
0xa5: {  	s26 =	simm.s32 $execute0_lowered;
	[smem:$0x3FD2] =	sst s25  }
0xa6: {  	s5 =	sshll.u32 s26, $0x1;
	_ =	strace $0x80000046;
	[dreg:$0x1] =	wrdreg $0xFFFFFFFF  }
0xa7: {  	s28 =	simm.s32 $_size_execute0_lowered;
	s3 =	sadd.s32 s3, s5;
	[dreg:$0x0] =	wrdreg $0x0  }
0xa8: {  	s5 =	sshll.u32 s28, $0x1;
	[dreg:$0x2] =	wrdreg s3  }
0xa9: {  	[dreg:$0x3] =	wrdreg s5  }
0xaa: {  	[dreg:$0x4] =	wrdreg $0xC0  }
0xab: {  	_ =	task [dreg:s7], $0x5FFFF  }
0xac: {  	[dreg:$0x1] =	wrdreg $0xFFFFFFFF  }
0xad: {  	[dreg:$0x0] =	wrdreg $0x60  }
0xae: {  	[dreg:$0x2] =	wrdreg s2  }
0xaf: {  	[dreg:$0x3] =	wrdreg s24  }
0xb0: {  	[dreg:$0x4] =	wrdreg $0x161000  }
0xb1: {  	[dreg:$0x5] =	wrdreg $0x60800  }
0xb2: {  	[dreg:$0x6] =	wrdreg $0x9  }
0xb3: {  	_ =	task.clear_ibuf [dreg:s7], $0x7FFFF;
	_ =	strace $0x90000046  }
0xb4: {  	s29 =	simm.s32 $0x9;
	_ =	strace $0x80000048  }
0xb5: {  	_ =	swait.ge [sflag:s29], $0x1  }
0xb6: {  	[sflag:s29] =	ssyncadd.s32 $0xFFFFFFFF  }
0xb7: {  	_ =	strace $0x90000048  }
0xb8: {  	_ =	sfence  }
0xb9: {  	s30 =	sld [smem:$0x0];
	_ =	sdelay $0x2  }
0xba: {  	s31 =	sshll.u32 s1, $0xD;
	s1 =	sshrl.u32 s1, $0x2  }
0xbb: {  	s3 =	sand.u32 $0x4000, s31;
	s1 =	sadd.s32 s1, s30  }
0xbc: {  	s0 =	sor.u32 s3, s0;
	s1 =	sshll.u32 s1, $0x11  }
0xbd: {  	s0 =	sor.u32 s1, s0  }
0xbe: {  	s0 =	sadd.s32 $0x8F2B, s0  }
0xbf: {  	[sflag:s0] =	ssyncadd.remote.s32 $0x1  }
0xc0: {  	_ =	sfence.sel $0xFFFF  }
0xc1: {  	[dreg:$0x0] =	wrdreg $0xFFFFFFFF;
	(pc) =	sbr.abs _section_cstart, $3  }
0xc2: {  	[dreg:$0x1] =	wrdreg $0xFFFFFFFF  }
0xc3: {  	_ =	task.clear_ibuf [dreg:s7], $0x2FFFF;
	_ =	strace $0x9FFFFFFF  }
0xc4: {  	(tm) =	ssettm $0x7FFFFFFF  }
0xc5: {  	_ =	shalt  }
tec
execute0_lowered:
.L_overlay_start_1:
0x0: {  	(tag) =	ssettag $0x1  }
0x1: {  	s0 =	rddreg [dreg:$0x0]  }
0x2: {  	s3 =	rddreg [dreg:$0x1]  }
0x3: {  	s1 =	rddreg [dreg:$0x2]  }
0x4: {  	s2 =	rddreg [dreg:$0x3]  }
0x5: {  	s4 =	simm.s32 $0x0;
	s5 =	srdreg.scid;
	s10 =	stileid.u32  }
0x6: {  	s20 =	simm.s32 $0x80;
	s28 =	simm.s32 $0x4000;
	s22 =	simm.s32 $0x2D00  }
0x7: {  	s29 =	simm.s32 $0x2E80;
	s30 =	simm.s32 $0x2F00;
	s31 =	simm.s32 $0x2F80  }
0x8: {  	[smem:$0x7FF] =	sst s4;
	s4 =	sadd.s32 $0x2E00, s3;
	s6 =	sand.u32 $0x1, s5  }
0x9: {  	s8 =	sshll.u32 s10, $0xA;
	s24 =	sshll.u32 s10, $0x10;
	s25 =	sshll.u32 s10, $0x5  }
0xa: {  	p0 =	sne.s32 s10, $0x0;
	_ =	strace $0x80000047;
	s5 =	sshll.u32 s6, $0xA  }
0xb: {  	s6 =	ssub.s32 $0x2, s6;
	s23 =	sadd.s32 s0, s8;
	s9 =	sadd.s32 s24, s2  }
0xc: {  	s24 =	simm.s32 $0x4080;
	s0 =	simm.s32 $0x10;
	s8 =	simm.s32 $0x0  }
0xd: {  	s3 =	sadd.s32 s5, s3;
	s7 =	sshrl.u32 s6, $0x1;
	[dreg:$0x5] =	wrdreg s23  }
0xe: {  	s12 =	sadd.s32 $0x2000, s9;
	s13 =	sadd.s32 $0x4000, s9;
	s14 =	sadd.s32 $0x6000, s9  }
0xf: {  	s15 =	sadd.s32 $0x8000, s9;
	s16 =	sadd.s32 $0xA000, s9;
	s17 =	sadd.s32 $0xC000, s9  }
0x10: {  	s18 =	sadd.s32 $0xE000, s9;
	s6 =	ssub.s32 s6, s7;
	s7 =	sadd.s32 $0x10, s23  }
0x11: {  	s19 =	sor.u32 s25, s5;
	s3 =	sadd.s32 $0x82E00, s3;
	[dreg:$0x6] =	wrdreg s7  }
0x12: {  	s25 =	simm.s32 $0x1;
	[dreg:$0x7] =	wrdreg s3;
	s26 =	smax.u32 s6, $0x1  }
0x13: {  	v1 =	vimm.f32 $1.000000000e+00;
	v2 =	vimm.f32 $0.0e+00;
	v0 =	vmov s5;
	s6 =	simm.s32 $0x2D80;
	[dreg:$0x8] =	wrdreg s26;
	s26 =	simm.s32 $0x2E00  }
.LBB2_1:
0x14: {  	[dreg:$0x9] =	wrdreg s8;
	s3 =	simm.s32 $0x0  }
0x15: {  	s7 =	rddreg [dreg:$0x5];
	s11 =	simm.s32 $0x100;
	s21 =	simm.s32 $0x2  }
0x16: {  	[tilespmem:s3], [sflag:$0x2] =	stream.strided.gather [hbm4b:s7+s20], $0x1000, s11, s20, $0x38;
	[tilespmem:$0x16180] =	vst v63  }
0x17: {  	_ =	swait.ge [sflag:s21], $0x1000  }
0x18: {  	[sflag:s21] =	ssyncset.done $0x0  }
0x19: {  	s10 =	simm.s32 $0x1000;
	s23 =	rddreg [dreg:$0x6];
	[sflag:s21] =	ssyncadd.s32 $0xFFFFF000  }
0x1a: {  	[tilespmem:s10], [sflag:$0x2] =	stream.strided.gather [hbm4b:s23+s20], $0x1000, s11, s20, $0x38;
	[tilespmem:$0x16180] =	vst v63  }
0x1b: {  	_ =	swait.ge [sflag:s21], $0x1000  }
0x1c: {  	[sflag:s21] =	ssyncset.done $0x0  }
0x1d: {  	[sflag:s21] =	ssyncadd.s32 $0xFFFFF000  }
0x1e: {  	[tilespmem:$0x4000] =	vst v1  }
0x1f: {  	[tilespmem:$0x4010] =	vst v1  }
0x20: {  	[tilespmem:$0x4020] =	vst v1  }
0x21: {  	[tilespmem:$0x4030] =	vst v1  }
0x22: {  	[tilespmem:$0x4040] =	vst v1  }
0x23: {  	[tilespmem:$0x4050] =	vst v1  }
0x24: {  	[tilespmem:$0x4060] =	vst v1  }
0x25: {  	s3 =	simm.s32 $0x0;
	[tilespmem:$0x4070] =	vst v1  }
.LBB2_2:
0x26: {  	p1 =	sne.s32 s3, $0x7FC0  }
.Ltmp0:
0x27: {  	_ = 	snop;
	(pc) =	sbr.rel @p1 .LBB2_2-.Ltmp0, $3  }
0x28: {  	_ =	sdelay $0x1  }
0x29: {  	s8 =	sshra.s32 s3, $0x2  }
0x2a: {  	s3 =	sadd.s32 $0x40, s3;
	[tilespmem:s8+$0x4080] =	vst v2  }
0x2b: {  	s3 =	simm.s32 $0x0  }
0x2c: {  	v3 =	vld [tilespmem:s3+$0x70]  }
0x2d: {  	v4 =	vld [tilespmem:s3+$0x1070]  }
0x2e: {  	v5 =	vld [tilespmem:s3+$0x0]  }
0x2f: {  	v6 =	vld [tilespmem:s3+$0x1000]  }
0x30: {  	v7 =	vld [tilespmem:s3+$0x10]  }
0x31: {  	v8 =	vld [tilespmem:s3+$0x1010]  }
0x32: {  	v9 =	vld [tilespmem:s3+$0x20]  }
0x33: {  	v10 =	vld [tilespmem:s3+$0x1020];
	v3 =	vsub.s32 v3, v0;
	v4 =	vand.u32 $0x3FF, v4;
	v5 =	vsub.s32 v5, v0  }
0x34: {  	v11 =	vld [tilespmem:s3+$0x30];
	v6 =	vand.u32 $0x3FF, v6;
	vm0 =	vlt.u32 v3, $0x400;
	v4 =	vor.u32 $0x400, v4  }
0x35: {  	v12 =	vld [tilespmem:s3+$0x1030];
	v3 =	vsel vm0, v3, v4;
	vm0 =	vlt.u32 v5, $0x400;
	v4 =	vor.u32 $0x400, v6  }
0x36: {  	v13 =	vld [tilespmem:s3+$0x40];
	[tilespmem:s3+$0x3070] =	vst v3;
	v3 =	vsel vm0, v5, v4;
	v4 =	vsub.s32 v7, v0;
	v5 =	vand.u32 $0x3FF, v8  }
0x37: {  	v14 =	vld [tilespmem:s3+$0x1040];
	[tilespmem:s3+$0x3000] =	vst v3;
	vm0 =	vlt.u32 v4, $0x400;
	v3 =	vor.u32 $0x400, v5  }
0x38: {  	v6 =	vand.u32 $0x3FF, v10;
	v5 =	vsub.s32 v9, v0;
	v3 =	vsel vm0, v4, v3;
	v4 =	vld [tilespmem:s3+$0x50]  }
0x39: {  	vm0 =	vlt.u32 v5, $0x400;
	[tilespmem:s3+$0x3010] =	vst v3;
	v3 =	vor.u32 $0x400, v6;
	v6 =	vld [tilespmem:s3+$0x1050]  }
0x3a: {  	v7 =	vand.u32 $0x3FF, v12;
	v9 =	vsub.s32 v11, v0;
	v3 =	vsel vm0, v5, v3;
	v5 =	vld [tilespmem:s3+$0x60]  }
0x3b: {  	s23 =	simm.s32 $0x80;
	v8 =	vsub.s32 v13, v0;
	v10 =	vor.u32 $0x400, v7;
	v7 =	vld [tilespmem:s3+$0x1060];
	vm0 =	vlt.u32 v9, $0x400;
	[tilespmem:s3+$0x3020] =	vst v3  }
0x3c: {  	s21 =	simm.s32 $0x400;
	v9 =	vsel vm0, v9, v10;
	vm0 =	vlt.u32 v8, $0x400;
	v10 =	vand.u32 $0x3FF, v14;
	v3 =	vld [tilespmem:s23+$0x70]  }
.LBB2_4:
0x3d: {  	p1 =	sne.s32 s21, $0x3E00;
	v11 =	vld [tilespmem:s23+$0x1070];
	[tilespmem:s3+$0x3030] =	vst v9;
	v9 =	vor.u32 $0x400, v10;
	v4 =	vsub.s32 v4, v0  }
0x3e: {  	v10 =	vld [tilespmem:s23+$0x0];
	v8 =	vsel vm0, v8, v9;
	vm0 =	vlt.u32 v4, $0x400;
	v6 =	vand.u32 $0x3FF, v6  }
0x3f: {  	v9 =	vld [tilespmem:s23+$0x1000];
	[tilespmem:s3+$0x3040] =	vst v8;
	v6 =	vor.u32 $0x400, v6;
	v5 =	vsub.s32 v5, v0  }
0x40: {  	v8 =	vld [tilespmem:s23+$0x10];
	v4 =	vsel vm0, v4, v6;
	vm0 =	vlt.u32 v5, $0x400;
	v6 =	vand.u32 $0x3FF, v7  }
0x41: {  	v7 =	vld [tilespmem:s23+$0x1010];
	[tilespmem:s3+$0x3050] =	vst v4;
	v4 =	vor.u32 $0x400, v6  }
0x42: {  	v3 =	vsub.s32 v3, v0;
	v6 =	vld [tilespmem:s23+$0x20];
	v11 =	vand.u32 $0x3FF, v11;
	v4 =	vsel vm0, v5, v4  }
0x43: {  	vm0 =	vlt.u32 v3, $0x400;
	v5 =	vsub.s32 v10, v0;
	v10 =	vld [tilespmem:s23+$0x1020];
	v11 =	vor.u32 $0x400, v11;
	[tilespmem:s3+$0x3060] =	vst v4;
	s3 =	smov.u32 s23  }
0x44: {  	vm1 =	vlt.u32 v5, $0x400;
	v4 =	vand.u32 $0x3FF, v9;
	v9 =	vld [tilespmem:s3+$0x30];
	v3 =	vsel vm0, v3, v11  }
0x45: {  	v4 =	vor.u32 $0x400, v4;
	v8 =	vsub.s32 v8, v0;
	v11 =	vld [tilespmem:s3+$0x1030];
	[tilespmem:s3+$0x3070] =	vst v3  }
0x46: {  	v3 =	vsel vm1, v5, v4;
	vm0 =	vlt.u32 v8, $0x400;
	v4 =	vand.u32 $0x3FF, v7;
	v7 =	vld [tilespmem:s3+$0x40]  }
0x47: {  	[tilespmem:s3+$0x3000] =	vst v3;
	v3 =	vor.u32 $0x400, v4;
	v5 =	vsub.s32 v6, v0;
	v12 =	vld [tilespmem:s3+$0x1040]  }
.Ltmp1:
0x48: {  	v3 =	vsel vm0, v8, v3;
	vm0 =	vlt.u32 v5, $0x400;
	v6 =	vand.u32 $0x3FF, v10;
	v4 =	vld [tilespmem:s3+$0x50];
	(pc) =	sbr.rel @p1 .LBB2_4-.Ltmp1, $4  }
0x49: {  	[tilespmem:s3+$0x3010] =	vst v3;
	v3 =	vor.u32 $0x400, v6;
	v9 =	vsub.s32 v9, v0;
	v6 =	vld [tilespmem:s3+$0x1050]  }
0x4a: {  	v3 =	vsel vm0, v5, v3;
	vm0 =	vlt.u32 v9, $0x400;
	v8 =	vand.u32 $0x3FF, v11;
	v5 =	vld [tilespmem:s3+$0x60]  }
0x4b: {  	s23 =	sshra.s32 s21, $0x2;
	[tilespmem:s3+$0x3020] =	vst v3;
	v10 =	vor.u32 $0x400, v8;
	v8 =	vsub.s32 v7, v0;
	v7 =	vld [tilespmem:s3+$0x1060]  }
0x4c: {  	s21 =	sadd.s32 $0x200, s21;
	v3 =	vld [tilespmem:s23+$0x70];
	v9 =	vsel vm0, v9, v10;
	vm0 =	vlt.u32 v8, $0x400;
	v10 =	vand.u32 $0x3FF, v12  }
0x4d: {  	v11 =	vld [tilespmem:s23+$0x1070];
	[tilespmem:s3+$0x3030] =	vst v9;
	v43 =	vor.u32 $0x400, v10  }
0x4e: {  	v4 =	vsub.s32 v4, v0;
	v44 =	vld [tilespmem:s23+$0x0];
	v8 =	vsel vm0, v8, v43;
	v6 =	vand.u32 $0x3FF, v6  }
0x4f: {  	v45 =	vld [tilespmem:s23+$0x1000];
	vm6 =	vlt.u32 v4, $0x400;
	[tilespmem:s3+$0x3040] =	vst v8;
	v6 =	vor.u32 $0x400, v6  }
0x50: {  	v5 =	vsub.s32 v5, v0;
	v8 =	vld [tilespmem:s23+$0x10];
	v4 =	vsel vm6, v4, v6;
	v7 =	vand.u32 $0x3FF, v7  }
0x51: {  	v46 =	vld [tilespmem:s23+$0x1010];
	vm7 =	vlt.u32 v5, $0x400;
	[tilespmem:s3+$0x3050] =	vst v4;
	v47 =	vor.u32 $0x400, v7  }
0x52: {  	v48 =	vld [tilespmem:s23+$0x20];
	v4 =	vsel vm7, v5, v47  }
0x53: {  	v49 =	vld [tilespmem:s23+$0x1020];
	[tilespmem:s3+$0x3060] =	vst v4  }
0x54: {  	v51 =	vld [tilespmem:s23+$0x30]  }
0x55: {  	v3 =	vsub.s32 v3, v0;
	v52 =	vld [tilespmem:s23+$0x1030]  }
0x56: {  	v11 =	vand.u32 $0x3FF, v11;
	vm8 =	vlt.u32 v3, $0x400;
	v53 =	vld [tilespmem:s23+$0x40]  }
0x57: {  	v50 =	vor.u32 $0x400, v11;
	v10 =	vsub.s32 v44, v0;
	v9 =	vand.u32 $0x3FF, v45;
	v54 =	vld [tilespmem:s23+$0x1040]  }
0x58: {  	v3 =	vsel vm8, v3, v50;
	vm9 =	vlt.u32 v10, $0x400;
	v9 =	vor.u32 $0x400, v9;
	v55 =	vld [tilespmem:s23+$0x50]  }
0x59: {  	v56 =	vld [tilespmem:s23+$0x1050];
	[tilespmem:s23+$0x3070] =	vst v3;
	v3 =	vsel vm9, v10, v9;
	v8 =	vsub.s32 v8, v0;
	v6 =	vand.u32 $0x3FF, v46  }
0x5a: {  	v57 =	vld [tilespmem:s23+$0x60];
	[tilespmem:s23+$0x3000] =	vst v3;
	vm10 =	vlt.u32 v8, $0x400;
	v3 =	vor.u32 $0x400, v6  }
0x5b: {  	v58 =	vld [tilespmem:s23+$0x1060];
	v3 =	vsel vm10, v8, v3;
	v7 =	vsub.s32 v48, v0;
	v5 =	vand.u32 $0x3FF, v49  }
0x5c: {  	[tilespmem:s23+$0x3010] =	vst v3;
	vm11 =	vlt.u32 v7, $0x400;
	v3 =	vor.u32 $0x400, v5  }
0x5d: {  	v3 =	vsel vm11, v7, v3;
	v4 =	vand.u32 $0x3FF, v52  }
0x5e: {  	v9 =	vsub.s32 v53, v0;
	v59 =	vand.u32 $0x3FF, v54;
	v60 =	vsub.s32 v55, v0  }
0x5f: {  	v5 =	vand.u32 $0x3FF, v56;
	v61 =	vsub.s32 v57, v0;
	[tilespmem:s23+$0x3020] =	vst v3;
	v3 =	vsub.s32 v51, v0  }
0x60: {  	v62 =	vand.u32 $0x3FF, v58;
	v4 =	vor.u32 $0x400, v4;
	vm12 =	vlt.u32 v3, $0x400  }
0x61: {  	vm13 =	vlt.u32 v9, $0x400;
	v3 =	vsel vm12, v3, v4;
	v4 =	vor.u32 $0x400, v59  }
0x62: {  	vm14 =	vlt.u32 v60, $0x400;
	v4 =	vsel vm13, v9, v4;
	[tilespmem:s23+$0x3030] =	vst v3;
	v3 =	vor.u32 $0x400, v5  }
0x63: {  	vm15 =	vlt.u32 v61, $0x400;
	v63 =	vor.u32 $0x400, v62;
	[tilespmem:s23+$0x3040] =	vst v4;
	v3 =	vsel vm14, v60, v3  }
0x64: {  	[tilespmem:s23+$0x3050] =	vst v3;
	v3 =	vsel vm15, v61, v63  }
0x65: {  	s3 =	simm.s32 @!p0 $0x4080;
	[tilespmem:s23+$0x3060] =	vst v3  }
0x66: {  	[spmem:s1] =	stream.linear.scatter @!p0 [tilespmem:s3], [sflag:$0x2], $0x800, $0x38;
	[tilespmem:$0x16180] =	vst v63  }
0x67: {  	s3 =	simm.s32 @!p0 $0x2  }
0x68: {  	_ =	swait.ge @!p0 [sflag:s3], $0x800  }
0x69: {  	[sflag:s3] =	ssyncset.done @!p0 $0x0  }
0x6a: {  	p2 =	por $0x1, $0x1;
	[sflag:s3] =	ssyncadd.s32 @!p0 $0xFFFFF800;
	s3 =	simm.s32 $0x0  }
.LBB2_6:
0x6b: {  	[spmem:s9] =	stream.linear.scatter [tilespmem:s24], [sflag:$0x1], $0x2000, $0x38;
	[tilespmem:$0x16180] =	vst v63  }
0x6c: {  	_ = 	snop  }
0x6d: {  	[spmem:s12] =	stream.linear.scatter [tilespmem:s24], [sflag:$0x1], $0x2000, $0x38;
	[tilespmem:$0x16180] =	vst v63  }
0x6e: {  	_ = 	snop  }
0x6f: {  	[spmem:s13] =	stream.linear.scatter [tilespmem:s24], [sflag:$0x1], $0x2000, $0x38;
	[tilespmem:$0x16180] =	vst v63  }
0x70: {  	_ = 	snop  }
0x71: {  	[spmem:s14] =	stream.linear.scatter [tilespmem:s24], [sflag:$0x1], $0x2000, $0x38;
	[tilespmem:$0x16180] =	vst v63  }
0x72: {  	_ = 	snop  }
0x73: {  	[spmem:s15] =	stream.linear.scatter [tilespmem:s24], [sflag:$0x1], $0x2000, $0x38;
	[tilespmem:$0x16180] =	vst v63  }
0x74: {  	_ = 	snop  }
0x75: {  	[spmem:s16] =	stream.linear.scatter [tilespmem:s24], [sflag:$0x1], $0x2000, $0x38;
	[tilespmem:$0x16180] =	vst v63  }
0x76: {  	_ = 	snop  }
0x77: {  	[spmem:s17] =	stream.linear.scatter [tilespmem:s24], [sflag:$0x1], $0x2000, $0x38;
	[tilespmem:$0x16180] =	vst v63  }
0x78: {  	_ = 	snop  }
0x79: {  	[spmem:s18] =	stream.linear.scatter [tilespmem:s24], [sflag:$0x1], $0x2000, $0x38;
	[tilespmem:$0x16180] =	vst v63  }
0x7a: {  	_ =	swait.ge [sflag:s25], $0x2000  }
0x7b: {  	[sflag:s25] =	ssyncset.done $0x0  }
0x7c: {  	[sflag:s25] =	ssyncadd.s32 $0xFFFFE000  }
0x7d: {  	_ =	swait.ge [sflag:s25], $0x2000  }
0x7e: {  	[sflag:s25] =	ssyncset.done $0x0  }
0x7f: {  	[sflag:s25] =	ssyncadd.s32 $0xFFFFE000  }
0x80: {  	_ =	swait.ge [sflag:s25], $0x2000  }
0x81: {  	[sflag:s25] =	ssyncset.done $0x0  }
0x82: {  	[sflag:s25] =	ssyncadd.s32 $0xFFFFE000  }
0x83: {  	_ =	swait.ge [sflag:s25], $0x2000  }
0x84: {  	[sflag:s25] =	ssyncset.done $0x0  }
0x85: {  	[sflag:s25] =	ssyncadd.s32 $0xFFFFE000  }
0x86: {  	_ =	swait.ge [sflag:s25], $0x2000  }
0x87: {  	[sflag:s25] =	ssyncset.done $0x0  }
0x88: {  	[sflag:s25] =	ssyncadd.s32 $0xFFFFE000  }
0x89: {  	_ =	swait.ge [sflag:s25], $0x2000  }
0x8a: {  	[sflag:s25] =	ssyncset.done $0x0  }
0x8b: {  	[sflag:s25] =	ssyncadd.s32 $0xFFFFE000  }
0x8c: {  	_ =	swait.ge [sflag:s25], $0x2000  }
0x8d: {  	[sflag:s25] =	ssyncset.done $0x0  }
0x8e: {  	[sflag:s25] =	ssyncadd.s32 $0xFFFFE000  }
0x8f: {  	_ =	swait.ge [sflag:s25], $0x2000  }
0x90: {  	[sflag:s25] =	ssyncset.done $0x0  }
0x91: {  	s23 =	simm.s32 $0x0;
	[sflag:s25] =	ssyncadd.s32 $0xFFFFE000  }
0x92: {  	v4 =	vld [tilespmem:s23+$0x70]  }
0x93: {  	v5 =	vld [tilespmem:s23+$0x0]  }
0x94: {  	v6 =	vld [tilespmem:s23+$0x10]  }
0x95: {  	v7 =	vld [tilespmem:s23+$0x1070]  }
0x96: {  	v11 =	vld [tilespmem:s23+$0x50]  }
0x97: {  	s8 =	sor.u32 s5, s3;
	v12 =	vld [tilespmem:s23+$0x60]  }
0x98: {  	v3 =	vmov s8;
	v8 =	vld [tilespmem:s23+$0x20]  }
0x99: {  	v9 =	vld [tilespmem:s23+$0x30];
	v4 =	vsub.s32 v4, v3  }
0x9a: {  	v5 =	vsub.s32 v5, v3;
	v4 =	vmin.u32 v4, $0x200  }
0x9b: {  	v10 =	vld [tilespmem:s23+$0x40];
	v6 =	vsub.s32 v6, v3;
	v11 =	vsub.s32 v11, v3;
	v4 =	vshll.u32 v4, $0xB  }
0x9c: {  	v13 =	vld [tilespmem:s23+$0x1000];
	v12 =	vsub.s32 v12, v3;
	v5 =	vmin.u32 v5, $0x200;
	v4 =	vadd.s32 v7, v4  }
0x9d: {  	v15 =	vld [tilespmem:s23+$0x1010];
	v11 =	vmin.u32 v11, $0x200;
	v14 =	vshll.u32 v5, $0xB;
	[tilespmem:s23+$0x2070] =	vst v4;
	v4 =	vmin.u32 v6, $0x200  }
0x9e: {  	v5 =	vsub.s32 v8, v3;
	v6 =	vsub.s32 v9, v3;
	v16 =	vshll.u32 v4, $0xB;
	v4 =	vld [tilespmem:s23+$0x1020]  }
0x9f: {  	v17 =	vmin.u32 v12, $0x200;
	v7 =	vmin.u32 v5, $0x200;
	v5 =	vld [tilespmem:s23+$0x1030];
	v6 =	vmin.u32 v6, $0x200  }
0xa0: {  	v9 =	vsub.s32 v10, v3;
	v8 =	vshll.u32 v7, $0xB;
	v7 =	vshll.u32 v6, $0xB;
	v6 =	vld [tilespmem:s23+$0x1040]  }
0xa1: {  	v11 =	vshll.u32 v11, $0xB;
	v13 =	vadd.s32 v13, v14;
	v10 =	vmin.u32 v9, $0x200;
	v9 =	vld [tilespmem:s23+$0x1050]  }
0xa2: {  	p1 =	por p2, p2;
	s21 =	simm.s32 $0x80;
	s8 =	simm.s32 $0x400;
	v12 =	vld [tilespmem:s23+$0x1060];
	[tilespmem:s23+$0x2000] =	vst v13;
	v13 =	vshll.u32 v17, $0xB;
	v10 =	vshll.u32 v10, $0xB;
	v14 =	vadd.s32 v15, v16  }
.LBB2_7:
0xa3: {  	p2 =	sne.s32 s8, $0x3E00;
	v15 =	vld [tilespmem:s21+$0x70];
	[tilespmem:s23+$0x2010] =	vst v14;
	v4 =	vadd.s32 v4, v8  }
0xa4: {  	v8 =	vld [tilespmem:s21+$0x0];
	[tilespmem:s23+$0x2020] =	vst v4;
	v4 =	vadd.s32 v5, v7  }
0xa5: {  	v5 =	vld [tilespmem:s21+$0x10];
	[tilespmem:s23+$0x2030] =	vst v4;
	v4 =	vadd.s32 v6, v10  }
0xa6: {  	v6 =	vld [tilespmem:s21+$0x1070];
	[tilespmem:s23+$0x2040] =	vst v4;
	v4 =	vadd.s32 v9, v11  }
0xa7: {  	v7 =	vld [tilespmem:s21+$0x20];
	[tilespmem:s23+$0x2050] =	vst v4;
	v4 =	vadd.s32 v12, v13  }
0xa8: {  	v9 =	vld [tilespmem:s21+$0x30];
	v10 =	vsub.s32 v15, v3;
	[tilespmem:s23+$0x2060] =	vst v4;
	s23 =	smov.u32 s21  }
0xa9: {  	v4 =	vsub.s32 v8, v3;
	v11 =	vld [tilespmem:s23+$0x40];
	v8 =	vmin.u32 v10, $0x200  }
0xaa: {  	v4 =	vmin.u32 v4, $0x200;
	v5 =	vsub.s32 v5, v3;
	v10 =	vld [tilespmem:s23+$0x50];
	v8 =	vshll.u32 v8, $0xB  }
0xab: {  	v12 =	vshll.u32 v4, $0xB;
	v4 =	vmin.u32 v5, $0x200;
	v13 =	vld [tilespmem:s23+$0x60];
	v5 =	vadd.s32 v6, v8  }
0xac: {  	v14 =	vld [tilespmem:s23+$0x1000];
	v15 =	vshll.u32 v4, $0xB;
	v4 =	vsub.s32 v7, v3;
	[tilespmem:s23+$0x2070] =	vst v5  }
0xad: {  	v16 =	vld [tilespmem:s23+$0x1010];
	v5 =	vmin.u32 v4, $0x200;
	v6 =	vsub.s32 v9, v3  }
.Ltmp2:
0xae: {  	v4 =	vld [tilespmem:s23+$0x1020];
	v8 =	vshll.u32 v5, $0xB;
	v6 =	vmin.u32 v6, $0x200;
	v9 =	vsub.s32 v11, v3;
	(pc) =	sbr.rel @p2 .LBB2_7-.Ltmp2, $4  }
0xaf: {  	v5 =	vld [tilespmem:s23+$0x1030];
	v7 =	vshll.u32 v6, $0xB;
	v9 =	vmin.u32 v9, $0x200;
	v11 =	vsub.s32 v10, v3  }
0xb0: {  	v6 =	vld [tilespmem:s23+$0x1040];
	v10 =	vshll.u32 v9, $0xB;
	v11 =	vmin.u32 v11, $0x200;
	v13 =	vsub.s32 v13, v3  }
0xb1: {  	v12 =	vadd.s32 v14, v12;
	v9 =	vld [tilespmem:s23+$0x1050];
	v11 =	vshll.u32 v11, $0xB;
	v13 =	vmin.u32 v13, $0x200  }
0xb2: {  	s21 =	sshra.s32 s8, $0x2;
	s8 =	sadd.s32 $0x200, s8;
	[tilespmem:s23+$0x2000] =	vst v12;
	v14 =	vadd.s32 v16, v15;
	v12 =	vld [tilespmem:s23+$0x1060];
	v13 =	vshll.u32 v13, $0xB  }
0xb3: {  	v15 =	vld [tilespmem:s21+$0x70];
	[tilespmem:s23+$0x2010] =	vst v14;
	v4 =	vadd.s32 v4, v8  }
0xb4: {  	v36 =	vld [tilespmem:s21+$0x0];
	[tilespmem:s23+$0x2020] =	vst v4;
	v37 =	vadd.s32 v5, v7  }
0xb5: {  	v38 =	vld [tilespmem:s21+$0x10];
	[tilespmem:s23+$0x2030] =	vst v37;
	v39 =	vadd.s32 v6, v10  }
0xb6: {  	v40 =	vld [tilespmem:s21+$0x1070];
	[tilespmem:s23+$0x2040] =	vst v39;
	v41 =	vadd.s32 v9, v11  }
0xb7: {  	v42 =	vld [tilespmem:s21+$0x20];
	[tilespmem:s23+$0x2050] =	vst v41;
	v43 =	vadd.s32 v12, v13  }
0xb8: {  	v44 =	vld [tilespmem:s21+$0x30];
	[tilespmem:s23+$0x2060] =	vst v43  }
0xb9: {  	v46 =	vld [tilespmem:s21+$0x40]  }
0xba: {  	v47 =	vld [tilespmem:s21+$0x50]  }
0xbb: {  	v45 =	vsub.s32 v15, v3;
	v49 =	vld [tilespmem:s21+$0x1000]  }
0xbc: {  	v4 =	vmin.u32 v45, $0x200;
	v48 =	vld [tilespmem:s21+$0x60]  }
0xbd: {  	v50 =	vld [tilespmem:s21+$0x1010];
	v8 =	vsub.s32 v36, v3;
	v4 =	vshll.u32 v4, $0xB;
	v5 =	vsub.s32 v38, v3  }
0xbe: {  	v51 =	vld [tilespmem:s21+$0x1020];
	v8 =	vmin.u32 v8, $0x200;
	v4 =	vadd.s32 v40, v4;
	v5 =	vmin.u32 v5, $0x200  }
0xbf: {  	v14 =	vld [tilespmem:s21+$0x1030];
	v8 =	vshll.u32 v8, $0xB;
	v5 =	vshll.u32 v5, $0xB;
	v7 =	vsub.s32 v42, v3  }
0xc0: {  	v52 =	vld [tilespmem:s21+$0x1040];
	v7 =	vmin.u32 v7, $0x200;
	v9 =	vsub.s32 v44, v3;
	v6 =	vadd.s32 v49, v8  }
0xc1: {  	v53 =	vld [tilespmem:s21+$0x1050];
	[tilespmem:s21+$0x2070] =	vst v4;
	v7 =	vshll.u32 v7, $0xB;
	v9 =	vmin.u32 v9, $0x200;
	v10 =	vsub.s32 v46, v3  }
0xc2: {  	v56 =	vld [tilespmem:s21+$0x1060];
	v4 =	vadd.s32 v50, v5;
	v57 =	vsub.s32 v47, v3;
	v3 =	vsub.s32 v48, v3;
	[tilespmem:s21+$0x2000] =	vst v6  }
0xc3: {  	v54 =	vshll.u32 v9, $0xB;
	v55 =	vmin.u32 v10, $0x200;
	[tilespmem:s21+$0x2010] =	vst v4;
	v58 =	vadd.s32 v51, v7  }
0xc4: {  	v59 =	vmin.u32 v57, $0x200;
	v9 =	vshll.u32 v55, $0xB;
	[tilespmem:s21+$0x2020] =	vst v58;
	v60 =	vadd.s32 v14, v54  }
0xc5: {  	v3 =	vmin.u32 v3, $0x200;
	v61 =	vshll.u32 v59, $0xB;
	[tilespmem:s21+$0x2030] =	vst v60;
	v62 =	vadd.s32 v52, v9  }
0xc6: {  	v3 =	vshll.u32 v3, $0xB;
	v63 =	vadd.s32 v53, v61;
	[tilespmem:s21+$0x2040] =	vst v62  }
0xc7: {  	v3 =	vadd.s32 v56, v3;
	[tilespmem:s21+$0x2050] =	vst v63  }
0xc8: {  	[tilespmem:s21+$0x2060] =	vst v3  }
0xc9: {  	s7 =	simm.s32 $0x2000;
	[bflag:$0x0] =	sbarrier.arrive $0xFFFF  }
0xca: {  	[spmem:s2] =	stream.indirect.scatter.add.f32 [tilespmem:s28], [sflag:$0x1], $0x1, s7, s20, $0xb8;
	[tilespmem:$0x16180] =	vst v63  }
0xcb: {  	s8 =	simm.s32 $0x2080  }
0xcc: {  	[spmem:s2] =	stream.indirect.scatter.add.f32 [tilespmem:s28], [sflag:$0x1], $0x1, s8, s20, $0xb8;
	[tilespmem:$0x16180] =	vst v63  }
0xcd: {  	s10 =	simm.s32 $0x2100  }
0xce: {  	[spmem:s2] =	stream.indirect.scatter.add.f32 [tilespmem:s28], [sflag:$0x1], $0x1, s10, s20, $0xb8;
	[tilespmem:$0x16180] =	vst v63  }
0xcf: {  	s11 =	simm.s32 $0x2180  }
0xd0: {  	[spmem:s2] =	stream.indirect.scatter.add.f32 [tilespmem:s28], [sflag:$0x1], $0x1, s11, s20, $0xb8;
	[tilespmem:$0x16180] =	vst v63  }
0xd1: {  	s21 =	simm.s32 $0x2200  }
0xd2: {  	[spmem:s2] =	stream.indirect.scatter.add.f32 [tilespmem:s28], [sflag:$0x1], $0x1, s21, s20, $0xb8;
	[tilespmem:$0x16180] =	vst v63  }
0xd3: {  	s23 =	simm.s32 $0x2280  }
0xd4: {  	[spmem:s2] =	stream.indirect.scatter.add.f32 [tilespmem:s28], [sflag:$0x1], $0x1, s23, s20, $0xb8;
	[tilespmem:$0x16180] =	vst v63  }
0xd5: {  	s8 =	simm.s32 $0x2300  }
0xd6: {  	[spmem:s2] =	stream.indirect.scatter.add.f32 [tilespmem:s28], [sflag:$0x1], $0x1, s8, s20, $0xb8;
	[tilespmem:$0x16180] =	vst v63  }
0xd7: {  	s10 =	simm.s32 $0x2380  }
0xd8: {  	[spmem:s2] =	stream.indirect.scatter.add.f32 [tilespmem:s28], [sflag:$0x1], $0x1, s10, s20, $0xb8;
	[tilespmem:$0x16180] =	vst v63  }
0xd9: {  	s11 =	simm.s32 $0x2400  }
0xda: {  	[spmem:s2] =	stream.indirect.scatter.add.f32 [tilespmem:s28], [sflag:$0x1], $0x1, s11, s20, $0xb8;
	[tilespmem:$0x16180] =	vst v63  }
0xdb: {  	s21 =	simm.s32 $0x2480  }
0xdc: {  	[spmem:s2] =	stream.indirect.scatter.add.f32 [tilespmem:s28], [sflag:$0x1], $0x1, s21, s20, $0xb8;
	[tilespmem:$0x16180] =	vst v63  }
0xdd: {  	s23 =	simm.s32 $0x2500  }
0xde: {  	[spmem:s2] =	stream.indirect.scatter.add.f32 [tilespmem:s28], [sflag:$0x1], $0x1, s23, s20, $0xb8;
	[tilespmem:$0x16180] =	vst v63  }
0xdf: {  	s8 =	simm.s32 $0x2580  }
0xe0: {  	[spmem:s2] =	stream.indirect.scatter.add.f32 [tilespmem:s28], [sflag:$0x1], $0x1, s8, s20, $0xb8;
	[tilespmem:$0x16180] =	vst v63  }
0xe1: {  	s10 =	simm.s32 $0x2600  }
0xe2: {  	[spmem:s2] =	stream.indirect.scatter.add.f32 [tilespmem:s28], [sflag:$0x1], $0x1, s10, s20, $0xb8;
	[tilespmem:$0x16180] =	vst v63  }
0xe3: {  	s11 =	simm.s32 $0x2680  }
0xe4: {  	[spmem:s2] =	stream.indirect.scatter.add.f32 [tilespmem:s28], [sflag:$0x1], $0x1, s11, s20, $0xb8;
	[tilespmem:$0x16180] =	vst v63  }
0xe5: {  	s21 =	simm.s32 $0x2700  }
0xe6: {  	[spmem:s2] =	stream.indirect.scatter.add.f32 [tilespmem:s28], [sflag:$0x1], $0x1, s21, s20, $0xb8;
	[tilespmem:$0x16180] =	vst v63  }
0xe7: {  	s23 =	simm.s32 $0x2780  }
0xe8: {  	[spmem:s2] =	stream.indirect.scatter.add.f32 [tilespmem:s28], [sflag:$0x1], $0x1, s23, s20, $0xb8;
	[tilespmem:$0x16180] =	vst v63  }
0xe9: {  	s8 =	simm.s32 $0x2800  }
0xea: {  	[spmem:s2] =	stream.indirect.scatter.add.f32 [tilespmem:s28], [sflag:$0x1], $0x1, s8, s20, $0xb8;
	[tilespmem:$0x16180] =	vst v63  }
0xeb: {  	s10 =	simm.s32 $0x2880  }
0xec: {  	[spmem:s2] =	stream.indirect.scatter.add.f32 [tilespmem:s28], [sflag:$0x1], $0x1, s10, s20, $0xb8;
	[tilespmem:$0x16180] =	vst v63  }
0xed: {  	s11 =	simm.s32 $0x2900  }
0xee: {  	[spmem:s2] =	stream.indirect.scatter.add.f32 [tilespmem:s28], [sflag:$0x1], $0x1, s11, s20, $0xb8;
	[tilespmem:$0x16180] =	vst v63  }
0xef: {  	s21 =	simm.s32 $0x2980  }
0xf0: {  	[spmem:s2] =	stream.indirect.scatter.add.f32 [tilespmem:s28], [sflag:$0x1], $0x1, s21, s20, $0xb8;
	[tilespmem:$0x16180] =	vst v63  }
0xf1: {  	s23 =	simm.s32 $0x2A00  }
0xf2: {  	[spmem:s2] =	stream.indirect.scatter.add.f32 [tilespmem:s28], [sflag:$0x1], $0x1, s23, s20, $0xb8;
	[tilespmem:$0x16180] =	vst v63  }
0xf3: {  	s8 =	simm.s32 $0x2A80  }
0xf4: {  	[spmem:s2] =	stream.indirect.scatter.add.f32 [tilespmem:s28], [sflag:$0x1], $0x1, s8, s20, $0xb8;
	[tilespmem:$0x16180] =	vst v63  }
0xf5: {  	s10 =	simm.s32 $0x2B00  }
0xf6: {  	[spmem:s2] =	stream.indirect.scatter.add.f32 [tilespmem:s28], [sflag:$0x1], $0x1, s10, s20, $0xb8;
	[tilespmem:$0x16180] =	vst v63  }
0xf7: {  	s11 =	simm.s32 $0x2B80  }
0xf8: {  	[spmem:s2] =	stream.indirect.scatter.add.f32 [tilespmem:s28], [sflag:$0x1], $0x1, s11, s20, $0xb8;
	[tilespmem:$0x16180] =	vst v63  }
0xf9: {  	s21 =	simm.s32 $0x2C00  }
0xfa: {  	[spmem:s2] =	stream.indirect.scatter.add.f32 [tilespmem:s28], [sflag:$0x1], $0x1, s21, s20, $0xb8;
	[tilespmem:$0x16180] =	vst v63  }
0xfb: {  	s23 =	simm.s32 $0x2C80  }
0xfc: {  	[spmem:s2] =	stream.indirect.scatter.add.f32 [tilespmem:s28], [sflag:$0x1], $0x1, s23, s20, $0xb8;
	[tilespmem:$0x16180] =	vst v63  }
0xfd: {  	_ = 	snop  }
0xfe: {  	[spmem:s2] =	stream.indirect.scatter.add.f32 [tilespmem:s28], [sflag:$0x1], $0x1, s22, s20, $0xb8;
	[tilespmem:$0x16180] =	vst v63  }
0xff: {  	_ = 	snop  }
0x100: {  	[spmem:s2] =	stream.indirect.scatter.add.f32 [tilespmem:s28], [sflag:$0x1], $0x1, s6, s20, $0xb8;
	[tilespmem:$0x16180] =	vst v63  }
0x101: {  	_ = 	snop  }
0x102: {  	[spmem:s2] =	stream.indirect.scatter.add.f32 [tilespmem:s28], [sflag:$0x1], $0x1, s26, s20, $0xb8;
	[tilespmem:$0x16180] =	vst v63  }
0x103: {  	_ = 	snop  }
0x104: {  	[spmem:s2] =	stream.indirect.scatter.add.f32 [tilespmem:s28], [sflag:$0x1], $0x1, s29, s20, $0xb8;
	[tilespmem:$0x16180] =	vst v63  }
.Ltmp3:
0x105: {  	_ = 	snop;
	(pc) =	sbr.rel @!p1 .LBB2_10-.Ltmp3, $4  }
0x106: {  	_ = 	snop  }
0x107: {  	[spmem:s2] =	stream.indirect.scatter.add.f32 [tilespmem:s28], [sflag:$0x1], $0x1, s30, s20, $0xb8;
	[tilespmem:$0x16180] =	vst v63  }
0x108: {  	_ = 	snop  }
0x109: {  	[spmem:s2] =	stream.indirect.scatter.add.f32 [tilespmem:s28], [sflag:$0x1], $0x1, s31, s20, $0xb8;
	[tilespmem:$0x16180] =	vst v63  }
0x10a: {  	s7 =	simm.s32 $0x3000  }
0x10b: {  	[spmem:s1] =	stream.indirect.scatter.add.f32 [tilespmem:s28], [sflag:$0x1], $0x1, s7, s20, $0xb8;
	[tilespmem:$0x16180] =	vst v63  }
0x10c: {  	s23 =	simm.s32 $0x3080  }
0x10d: {  	[spmem:s1] =	stream.indirect.scatter.add.f32 [tilespmem:s28], [sflag:$0x1], $0x1, s23, s20, $0xb8;
	[tilespmem:$0x16180] =	vst v63  }
0x10e: {  	s8 =	simm.s32 $0x3100  }
0x10f: {  	[spmem:s1] =	stream.indirect.scatter.add.f32 [tilespmem:s28], [sflag:$0x1], $0x1, s8, s20, $0xb8;
	[tilespmem:$0x16180] =	vst v63  }
0x110: {  	s10 =	simm.s32 $0x3180  }
0x111: {  	[spmem:s1] =	stream.indirect.scatter.add.f32 [tilespmem:s28], [sflag:$0x1], $0x1, s10, s20, $0xb8;
	[tilespmem:$0x16180] =	vst v63  }
0x112: {  	s11 =	simm.s32 $0x3200  }
0x113: {  	[spmem:s1] =	stream.indirect.scatter.add.f32 [tilespmem:s28], [sflag:$0x1], $0x1, s11, s20, $0xb8;
	[tilespmem:$0x16180] =	vst v63  }
0x114: {  	s21 =	simm.s32 $0x3280  }
0x115: {  	[spmem:s1] =	stream.indirect.scatter.add.f32 [tilespmem:s28], [sflag:$0x1], $0x1, s21, s20, $0xb8;
	[tilespmem:$0x16180] =	vst v63  }
0x116: {  	s23 =	simm.s32 $0x3300  }
0x117: {  	[spmem:s1] =	stream.indirect.scatter.add.f32 [tilespmem:s28], [sflag:$0x1], $0x1, s23, s20, $0xb8;
	[tilespmem:$0x16180] =	vst v63  }
0x118: {  	s8 =	simm.s32 $0x3380  }
0x119: {  	[spmem:s1] =	stream.indirect.scatter.add.f32 [tilespmem:s28], [sflag:$0x1], $0x1, s8, s20, $0xb8;
	[tilespmem:$0x16180] =	vst v63  }
0x11a: {  	s10 =	simm.s32 $0x3400  }
0x11b: {  	[spmem:s1] =	stream.indirect.scatter.add.f32 [tilespmem:s28], [sflag:$0x1], $0x1, s10, s20, $0xb8;
	[tilespmem:$0x16180] =	vst v63  }
0x11c: {  	s11 =	simm.s32 $0x3480  }
0x11d: {  	[spmem:s1] =	stream.indirect.scatter.add.f32 [tilespmem:s28], [sflag:$0x1], $0x1, s11, s20, $0xb8;
	[tilespmem:$0x16180] =	vst v63  }
0x11e: {  	s21 =	simm.s32 $0x3500  }
0x11f: {  	[spmem:s1] =	stream.indirect.scatter.add.f32 [tilespmem:s28], [sflag:$0x1], $0x1, s21, s20, $0xb8;
	[tilespmem:$0x16180] =	vst v63  }
0x120: {  	s23 =	simm.s32 $0x3580  }
0x121: {  	[spmem:s1] =	stream.indirect.scatter.add.f32 [tilespmem:s28], [sflag:$0x1], $0x1, s23, s20, $0xb8;
	[tilespmem:$0x16180] =	vst v63  }
0x122: {  	s8 =	simm.s32 $0x3600  }
0x123: {  	[spmem:s1] =	stream.indirect.scatter.add.f32 [tilespmem:s28], [sflag:$0x1], $0x1, s8, s20, $0xb8;
	[tilespmem:$0x16180] =	vst v63  }
0x124: {  	s10 =	simm.s32 $0x3680  }
0x125: {  	[spmem:s1] =	stream.indirect.scatter.add.f32 [tilespmem:s28], [sflag:$0x1], $0x1, s10, s20, $0xb8;
	[tilespmem:$0x16180] =	vst v63  }
0x126: {  	s11 =	simm.s32 $0x3700  }
0x127: {  	[spmem:s1] =	stream.indirect.scatter.add.f32 [tilespmem:s28], [sflag:$0x1], $0x1, s11, s20, $0xb8;
	[tilespmem:$0x16180] =	vst v63  }
0x128: {  	s21 =	simm.s32 $0x3780  }
0x129: {  	[spmem:s1] =	stream.indirect.scatter.add.f32 [tilespmem:s28], [sflag:$0x1], $0x1, s21, s20, $0xb8;
	[tilespmem:$0x16180] =	vst v63  }
0x12a: {  	s23 =	simm.s32 $0x3800  }
0x12b: {  	[spmem:s1] =	stream.indirect.scatter.add.f32 [tilespmem:s28], [sflag:$0x1], $0x1, s23, s20, $0xb8;
	[tilespmem:$0x16180] =	vst v63  }
0x12c: {  	s8 =	simm.s32 $0x3880  }
0x12d: {  	[spmem:s1] =	stream.indirect.scatter.add.f32 [tilespmem:s28], [sflag:$0x1], $0x1, s8, s20, $0xb8;
	[tilespmem:$0x16180] =	vst v63  }
0x12e: {  	s10 =	simm.s32 $0x3900  }
0x12f: {  	[spmem:s1] =	stream.indirect.scatter.add.f32 [tilespmem:s28], [sflag:$0x1], $0x1, s10, s20, $0xb8;
	[tilespmem:$0x16180] =	vst v63  }
0x130: {  	s11 =	simm.s32 $0x3980  }
0x131: {  	[spmem:s1] =	stream.indirect.scatter.add.f32 [tilespmem:s28], [sflag:$0x1], $0x1, s11, s20, $0xb8;
	[tilespmem:$0x16180] =	vst v63  }
0x132: {  	s21 =	simm.s32 $0x3A00  }
0x133: {  	[spmem:s1] =	stream.indirect.scatter.add.f32 [tilespmem:s28], [sflag:$0x1], $0x1, s21, s20, $0xb8;
	[tilespmem:$0x16180] =	vst v63  }
0x134: {  	s23 =	simm.s32 $0x3A80  }
0x135: {  	[spmem:s1] =	stream.indirect.scatter.add.f32 [tilespmem:s28], [sflag:$0x1], $0x1, s23, s20, $0xb8;
	[tilespmem:$0x16180] =	vst v63  }
0x136: {  	s8 =	simm.s32 $0x3B00  }
0x137: {  	[spmem:s1] =	stream.indirect.scatter.add.f32 [tilespmem:s28], [sflag:$0x1], $0x1, s8, s20, $0xb8;
	[tilespmem:$0x16180] =	vst v63  }
0x138: {  	s10 =	simm.s32 $0x3B80  }
0x139: {  	[spmem:s1] =	stream.indirect.scatter.add.f32 [tilespmem:s28], [sflag:$0x1], $0x1, s10, s20, $0xb8;
	[tilespmem:$0x16180] =	vst v63  }
0x13a: {  	s11 =	simm.s32 $0x3C00  }
0x13b: {  	[spmem:s1] =	stream.indirect.scatter.add.f32 [tilespmem:s28], [sflag:$0x1], $0x1, s11, s20, $0xb8;
	[tilespmem:$0x16180] =	vst v63  }
0x13c: {  	s21 =	simm.s32 $0x3C80  }
0x13d: {  	[spmem:s1] =	stream.indirect.scatter.add.f32 [tilespmem:s28], [sflag:$0x1], $0x1, s21, s20, $0xb8;
	[tilespmem:$0x16180] =	vst v63  }
0x13e: {  	s23 =	simm.s32 $0x3D00  }
0x13f: {  	[spmem:s1] =	stream.indirect.scatter.add.f32 [tilespmem:s28], [sflag:$0x1], $0x1, s23, s20, $0xb8;
	[tilespmem:$0x16180] =	vst v63  }
0x140: {  	s8 =	simm.s32 $0x3D80  }
0x141: {  	[spmem:s1] =	stream.indirect.scatter.add.f32 [tilespmem:s28], [sflag:$0x1], $0x1, s8, s20, $0xb8;
	[tilespmem:$0x16180] =	vst v63  }
0x142: {  	s10 =	simm.s32 $0x3E00  }
0x143: {  	[spmem:s1] =	stream.indirect.scatter.add.f32 [tilespmem:s28], [sflag:$0x1], $0x1, s10, s20, $0xb8;
	[tilespmem:$0x16180] =	vst v63  }
0x144: {  	s11 =	simm.s32 $0x3E80  }
0x145: {  	[spmem:s1] =	stream.indirect.scatter.add.f32 [tilespmem:s28], [sflag:$0x1], $0x1, s11, s20, $0xb8;
	[tilespmem:$0x16180] =	vst v63  }
0x146: {  	s21 =	simm.s32 $0x3F00  }
0x147: {  	[spmem:s1] =	stream.indirect.scatter.add.f32 [tilespmem:s28], [sflag:$0x1], $0x1, s21, s20, $0xb8;
	[tilespmem:$0x16180] =	vst v63  }
0x148: {  	s23 =	simm.s32 $0x3F80  }
0x149: {  	[spmem:s1] =	stream.indirect.scatter.add.f32 [tilespmem:s28], [sflag:$0x1], $0x1, s23, s20, $0xb8;
	[tilespmem:$0x16180] =	vst v63  }
0x14a: {  	_ =	swait.ge [sflag:s25], $0x80  }
0x14b: {  	[sflag:s25] =	ssyncset.done $0x0  }
0x14c: {  	[sflag:s25] =	ssyncadd.s32 $0xFFFFFF80  }
0x14d: {  	_ =	swait.ge [sflag:s25], $0x80  }
0x14e: {  	[sflag:s25] =	ssyncset.done $0x0  }
0x14f: {  	[sflag:s25] =	ssyncadd.s32 $0xFFFFFF80  }
0x150: {  	_ =	swait.ge [sflag:s25], $0x80  }
0x151: {  	[sflag:s25] =	ssyncset.done $0x0  }
0x152: {  	[sflag:s25] =	ssyncadd.s32 $0xFFFFFF80  }
0x153: {  	_ =	swait.ge [sflag:s25], $0x80  }
0x154: {  	[sflag:s25] =	ssyncset.done $0x0  }
0x155: {  	[sflag:s25] =	ssyncadd.s32 $0xFFFFFF80  }
0x156: {  	_ =	swait.ge [sflag:s25], $0x80  }
0x157: {  	[sflag:s25] =	ssyncset.done $0x0  }
0x158: {  	[sflag:s25] =	ssyncadd.s32 $0xFFFFFF80  }
0x159: {  	_ =	swait.ge [sflag:s25], $0x80  }
0x15a: {  	[sflag:s25] =	ssyncset.done $0x0  }
0x15b: {  	[sflag:s25] =	ssyncadd.s32 $0xFFFFFF80  }
0x15c: {  	_ =	swait.ge [sflag:s25], $0x80  }
0x15d: {  	[sflag:s25] =	ssyncset.done $0x0  }
0x15e: {  	[sflag:s25] =	ssyncadd.s32 $0xFFFFFF80  }
0x15f: {  	_ =	swait.ge [sflag:s25], $0x80  }
0x160: {  	[sflag:s25] =	ssyncset.done $0x0  }
0x161: {  	[sflag:s25] =	ssyncadd.s32 $0xFFFFFF80  }
0x162: {  	_ =	swait.ge [sflag:s25], $0x80  }
0x163: {  	[sflag:s25] =	ssyncset.done $0x0  }
0x164: {  	[sflag:s25] =	ssyncadd.s32 $0xFFFFFF80  }
0x165: {  	_ =	swait.ge [sflag:s25], $0x80  }
0x166: {  	[sflag:s25] =	ssyncset.done $0x0  }
0x167: {  	[sflag:s25] =	ssyncadd.s32 $0xFFFFFF80  }
0x168: {  	_ =	swait.ge [sflag:s25], $0x80  }
0x169: {  	[sflag:s25] =	ssyncset.done $0x0  }
0x16a: {  	[sflag:s25] =	ssyncadd.s32 $0xFFFFFF80  }
0x16b: {  	_ =	swait.ge [sflag:s25], $0x80  }
0x16c: {  	[sflag:s25] =	ssyncset.done $0x0  }
0x16d: {  	[sflag:s25] =	ssyncadd.s32 $0xFFFFFF80  }
0x16e: {  	_ =	swait.ge [sflag:s25], $0x80  }
0x16f: {  	[sflag:s25] =	ssyncset.done $0x0  }
0x170: {  	[sflag:s25] =	ssyncadd.s32 $0xFFFFFF80  }
0x171: {  	_ =	swait.ge [sflag:s25], $0x80  }
0x172: {  	[sflag:s25] =	ssyncset.done $0x0  }
0x173: {  	[sflag:s25] =	ssyncadd.s32 $0xFFFFFF80  }
0x174: {  	_ =	swait.ge [sflag:s25], $0x80  }
0x175: {  	[sflag:s25] =	ssyncset.done $0x0  }
0x176: {  	[sflag:s25] =	ssyncadd.s32 $0xFFFFFF80  }
0x177: {  	_ =	swait.ge [sflag:s25], $0x80  }
0x178: {  	[sflag:s25] =	ssyncset.done $0x0  }
0x179: {  	[sflag:s25] =	ssyncadd.s32 $0xFFFFFF80  }
0x17a: {  	_ =	swait.ge [sflag:s25], $0x80  }
0x17b: {  	[sflag:s25] =	ssyncset.done $0x0  }
0x17c: {  	[sflag:s25] =	ssyncadd.s32 $0xFFFFFF80  }
0x17d: {  	_ =	swait.ge [sflag:s25], $0x80  }
0x17e: {  	[sflag:s25] =	ssyncset.done $0x0  }
0x17f: {  	[sflag:s25] =	ssyncadd.s32 $0xFFFFFF80  }
0x180: {  	_ =	swait.ge [sflag:s25], $0x80  }
0x181: {  	[sflag:s25] =	ssyncset.done $0x0  }
0x182: {  	[sflag:s25] =	ssyncadd.s32 $0xFFFFFF80  }
0x183: {  	_ =	swait.ge [sflag:s25], $0x80  }
0x184: {  	[sflag:s25] =	ssyncset.done $0x0  }
0x185: {  	[sflag:s25] =	ssyncadd.s32 $0xFFFFFF80  }
0x186: {  	_ =	swait.ge [sflag:s25], $0x80  }
0x187: {  	[sflag:s25] =	ssyncset.done $0x0  }
0x188: {  	[sflag:s25] =	ssyncadd.s32 $0xFFFFFF80  }
0x189: {  	_ =	swait.ge [sflag:s25], $0x80  }
0x18a: {  	[sflag:s25] =	ssyncset.done $0x0  }
0x18b: {  	[sflag:s25] =	ssyncadd.s32 $0xFFFFFF80  }
0x18c: {  	_ =	swait.ge [sflag:s25], $0x80  }
0x18d: {  	[sflag:s25] =	ssyncset.done $0x0  }
0x18e: {  	[sflag:s25] =	ssyncadd.s32 $0xFFFFFF80  }
0x18f: {  	_ =	swait.ge [sflag:s25], $0x80  }
0x190: {  	[sflag:s25] =	ssyncset.done $0x0  }
0x191: {  	[sflag:s25] =	ssyncadd.s32 $0xFFFFFF80  }
0x192: {  	_ =	swait.ge [sflag:s25], $0x80  }
0x193: {  	[sflag:s25] =	ssyncset.done $0x0  }
0x194: {  	[sflag:s25] =	ssyncadd.s32 $0xFFFFFF80  }
0x195: {  	_ =	swait.ge [sflag:s25], $0x80  }
0x196: {  	[sflag:s25] =	ssyncset.done $0x0  }
0x197: {  	[sflag:s25] =	ssyncadd.s32 $0xFFFFFF80  }
0x198: {  	_ =	swait.ge [sflag:s25], $0x80  }
0x199: {  	[sflag:s25] =	ssyncset.done $0x0  }
0x19a: {  	[sflag:s25] =	ssyncadd.s32 $0xFFFFFF80  }
0x19b: {  	_ =	swait.ge [sflag:s25], $0x80  }
0x19c: {  	[sflag:s25] =	ssyncset.done $0x0  }
0x19d: {  	[sflag:s25] =	ssyncadd.s32 $0xFFFFFF80  }
0x19e: {  	_ =	swait.ge [sflag:s25], $0x80  }
0x19f: {  	[sflag:s25] =	ssyncset.done $0x0  }
0x1a0: {  	[sflag:s25] =	ssyncadd.s32 $0xFFFFFF80  }
0x1a1: {  	_ =	swait.ge [sflag:s25], $0x80  }
0x1a2: {  	[sflag:s25] =	ssyncset.done $0x0  }
0x1a3: {  	[sflag:s25] =	ssyncadd.s32 $0xFFFFFF80  }
0x1a4: {  	_ =	swait.ge [sflag:s25], $0x80  }
0x1a5: {  	[sflag:s25] =	ssyncset.done $0x0  }
0x1a6: {  	[sflag:s25] =	ssyncadd.s32 $0xFFFFFF80  }
0x1a7: {  	_ =	swait.ge [sflag:s25], $0x80  }
0x1a8: {  	[sflag:s25] =	ssyncset.done $0x0  }
0x1a9: {  	[sflag:s25] =	ssyncadd.s32 $0xFFFFFF80  }
.LBB2_10:
0x1aa: {  	_ =	swait.ge [sflag:s25], $0x80  }
0x1ab: {  	[sflag:s25] =	ssyncset.done $0x0  }
0x1ac: {  	[sflag:s25] =	ssyncadd.s32 $0xFFFFFF80  }
0x1ad: {  	_ =	swait.ge [sflag:s25], $0x80  }
0x1ae: {  	[sflag:s25] =	ssyncset.done $0x0  }
0x1af: {  	[sflag:s25] =	ssyncadd.s32 $0xFFFFFF80  }
0x1b0: {  	_ =	swait.ge [sflag:s25], $0x80  }
0x1b1: {  	[sflag:s25] =	ssyncset.done $0x0  }
0x1b2: {  	[sflag:s25] =	ssyncadd.s32 $0xFFFFFF80  }
0x1b3: {  	_ =	swait.ge [sflag:s25], $0x80  }
0x1b4: {  	[sflag:s25] =	ssyncset.done $0x0  }
0x1b5: {  	[sflag:s25] =	ssyncadd.s32 $0xFFFFFF80  }
0x1b6: {  	_ =	swait.ge [sflag:s25], $0x80  }
0x1b7: {  	[sflag:s25] =	ssyncset.done $0x0  }
0x1b8: {  	[sflag:s25] =	ssyncadd.s32 $0xFFFFFF80  }
0x1b9: {  	_ =	swait.ge [sflag:s25], $0x80  }
0x1ba: {  	[sflag:s25] =	ssyncset.done $0x0  }
0x1bb: {  	[sflag:s25] =	ssyncadd.s32 $0xFFFFFF80  }
0x1bc: {  	_ =	swait.ge [sflag:s25], $0x80  }
0x1bd: {  	[sflag:s25] =	ssyncset.done $0x0  }
0x1be: {  	[sflag:s25] =	ssyncadd.s32 $0xFFFFFF80  }
0x1bf: {  	_ =	swait.ge [sflag:s25], $0x80  }
0x1c0: {  	[sflag:s25] =	ssyncset.done $0x0  }
0x1c1: {  	[sflag:s25] =	ssyncadd.s32 $0xFFFFFF80  }
0x1c2: {  	_ =	swait.ge [sflag:s25], $0x80  }
0x1c3: {  	[sflag:s25] =	ssyncset.done $0x0  }
0x1c4: {  	[sflag:s25] =	ssyncadd.s32 $0xFFFFFF80  }
0x1c5: {  	_ =	swait.ge [sflag:s25], $0x80  }
0x1c6: {  	[sflag:s25] =	ssyncset.done $0x0  }
0x1c7: {  	[sflag:s25] =	ssyncadd.s32 $0xFFFFFF80  }
0x1c8: {  	_ =	swait.ge [sflag:s25], $0x80  }
0x1c9: {  	[sflag:s25] =	ssyncset.done $0x0  }
0x1ca: {  	[sflag:s25] =	ssyncadd.s32 $0xFFFFFF80  }
0x1cb: {  	_ =	swait.ge [sflag:s25], $0x80  }
0x1cc: {  	[sflag:s25] =	ssyncset.done $0x0  }
0x1cd: {  	[sflag:s25] =	ssyncadd.s32 $0xFFFFFF80  }
0x1ce: {  	_ =	swait.ge [sflag:s25], $0x80  }
0x1cf: {  	[sflag:s25] =	ssyncset.done $0x0  }
0x1d0: {  	[sflag:s25] =	ssyncadd.s32 $0xFFFFFF80  }
0x1d1: {  	_ =	swait.ge [sflag:s25], $0x80  }
0x1d2: {  	[sflag:s25] =	ssyncset.done $0x0  }
0x1d3: {  	[sflag:s25] =	ssyncadd.s32 $0xFFFFFF80  }
0x1d4: {  	_ =	swait.ge [sflag:s25], $0x80  }
0x1d5: {  	[sflag:s25] =	ssyncset.done $0x0  }
0x1d6: {  	[sflag:s25] =	ssyncadd.s32 $0xFFFFFF80  }
0x1d7: {  	_ =	swait.ge [sflag:s25], $0x80  }
0x1d8: {  	[sflag:s25] =	ssyncset.done $0x0  }
0x1d9: {  	[sflag:s25] =	ssyncadd.s32 $0xFFFFFF80  }
0x1da: {  	_ =	swait.ge [sflag:s25], $0x80  }
0x1db: {  	[sflag:s25] =	ssyncset.done $0x0  }
0x1dc: {  	[sflag:s25] =	ssyncadd.s32 $0xFFFFFF80  }
0x1dd: {  	_ =	swait.ge [sflag:s25], $0x80  }
0x1de: {  	[sflag:s25] =	ssyncset.done $0x0  }
0x1df: {  	[sflag:s25] =	ssyncadd.s32 $0xFFFFFF80  }
0x1e0: {  	_ =	swait.ge [sflag:s25], $0x80  }
0x1e1: {  	[sflag:s25] =	ssyncset.done $0x0  }
0x1e2: {  	[sflag:s25] =	ssyncadd.s32 $0xFFFFFF80  }
0x1e3: {  	_ =	swait.ge [sflag:s25], $0x80  }
0x1e4: {  	[sflag:s25] =	ssyncset.done $0x0  }
0x1e5: {  	[sflag:s25] =	ssyncadd.s32 $0xFFFFFF80  }
0x1e6: {  	_ =	swait.ge [sflag:s25], $0x80  }
0x1e7: {  	[sflag:s25] =	ssyncset.done $0x0  }
0x1e8: {  	[sflag:s25] =	ssyncadd.s32 $0xFFFFFF80  }
0x1e9: {  	_ =	swait.ge [sflag:s25], $0x80  }
0x1ea: {  	[sflag:s25] =	ssyncset.done $0x0  }
0x1eb: {  	[sflag:s25] =	ssyncadd.s32 $0xFFFFFF80  }
0x1ec: {  	_ =	swait.ge [sflag:s25], $0x80  }
0x1ed: {  	[sflag:s25] =	ssyncset.done $0x0  }
0x1ee: {  	[sflag:s25] =	ssyncadd.s32 $0xFFFFFF80  }
0x1ef: {  	_ =	swait.ge [sflag:s25], $0x80  }
0x1f0: {  	[sflag:s25] =	ssyncset.done $0x0  }
0x1f1: {  	[sflag:s25] =	ssyncadd.s32 $0xFFFFFF80  }
0x1f2: {  	_ =	swait.ge [sflag:s25], $0x80  }
0x1f3: {  	[sflag:s25] =	ssyncset.done $0x0  }
0x1f4: {  	[sflag:s25] =	ssyncadd.s32 $0xFFFFFF80  }
0x1f5: {  	_ =	swait.ge [sflag:s25], $0x80  }
0x1f6: {  	[sflag:s25] =	ssyncset.done $0x0  }
0x1f7: {  	[sflag:s25] =	ssyncadd.s32 $0xFFFFFF80  }
0x1f8: {  	_ =	swait.ge [sflag:s25], $0x80  }
0x1f9: {  	[sflag:s25] =	ssyncset.done $0x0  }
0x1fa: {  	[sflag:s25] =	ssyncadd.s32 $0xFFFFFF80  }
0x1fb: {  	_ =	swait.ge [sflag:s25], $0x80  }
0x1fc: {  	[sflag:s25] =	ssyncset.done $0x0  }
0x1fd: {  	[sflag:s25] =	ssyncadd.s32 $0xFFFFFF80  }
0x1fe: {  	_ =	swait.ge [sflag:s25], $0x80  }
0x1ff: {  	[sflag:s25] =	ssyncset.done $0x0  }
0x200: {  	[sflag:s25] =	ssyncadd.s32 $0xFFFFFF80  }
0x201: {  	_ =	swait.ge [sflag:s25], $0x80  }
0x202: {  	[sflag:s25] =	ssyncset.done $0x0  }
0x203: {  	[sflag:s25] =	ssyncadd.s32 $0xFFFFFF80  }
0x204: {  	s3 =	sadd.s32 s3, s19;
	s8 =	simm.s32 $0x0;
	_ =	swait.ge [sflag:s25], $0x80  }
0x205: {  	s21 =	sadd.s32 $0x800, s9;
	s7 =	stileid.u32;
	[sflag:s25] =	ssyncset.done $0x0  }
0x206: {  	s10 =	sshll.u32 s3, $0x8;
	s3 =	simm.s32 $0x10;
	[sflag:s25] =	ssyncadd.s32 $0xFFFFFF80  }
0x207: {  	s11 =	sand.u32 $0x70, s8;
	s23 =	sshll.u32 s7, $0x6;
	_ =	swait.ge [sflag:s25], $0x80  }
0x208: {  	s8 =	sadd.s32 $0x100, s10;
	s10 =	sand.u32 $0x7F800, s10;
	[sflag:s25] =	ssyncset.done $0x0  }
0x209: {  	s11 =	sadd.s32 s4, s11;
	s23 =	sor.u32 $0x1C01, s23;
	[sflag:s25] =	ssyncadd.s32 $0xFFFFFF80  }
0x20a: {  	s10 =	sadd.s32 s10, s11;
	s11 =	sshrl.u32 s9, $0x3;
	[bflag:$0x0] =	sbarrier.arrive $0xFFFF  }
.LBB2_11:
0x20b: {  	[hbm:s10@s20], [sflag:s23] =	dma.strided [spmem:s11@s0], $0x100, s25, $0x10   }
0x20c: {  	s10 =	smov.u32 s3  }
0x20d: {  	s11 =	smov.u32 s8;
	s7 =	smov.u32 s21;
	p2 =	sne.s32 s3, $0x1F0  }
.Ltmp4:
0x20e: {  	s3 =	sadd.s32 $0x10, s3;
	(pc) =	sbr.rel @p2 .LBB2_11-.Ltmp4, $4  }
0x20f: {  	_ = 	snop  }
0x210: {  	s8 =	sadd.s32 $0x100, s8;
	s21 =	sadd.s32 $0x800, s21;
	s10 =	sand.u32 $0x70, s10  }
0x211: {  	s11 =	sand.u32 $0x7F800, s11;
	s10 =	sadd.s32 s4, s10  }
0x212: {  	s10 =	sadd.s32 s11, s10;
	s11 =	sshrl.u32 s7, $0x3  }
0x213: {  	[hbm:s10@s20], [sflag:s23] =	dma.strided [spmem:s11@s0], $0x100, s25, $0x10   }
0x214: {  	_ =	swait.ge [sflag:s25], $0x100  }
0x215: {  	[sflag:s25] =	ssyncset.done $0x0  }
0x216: {  	[sflag:s25] =	ssyncadd.s32 $0xFFFFFF00  }
0x217: {  	_ =	swait.ge [sflag:s25], $0x100  }
0x218: {  	[sflag:s25] =	ssyncset.done $0x0  }
0x219: {  	[sflag:s25] =	ssyncadd.s32 $0xFFFFFF00  }
0x21a: {  	_ =	swait.ge [sflag:s25], $0x100  }
0x21b: {  	[sflag:s25] =	ssyncset.done $0x0  }
0x21c: {  	[sflag:s25] =	ssyncadd.s32 $0xFFFFFF00  }
0x21d: {  	_ =	swait.ge [sflag:s25], $0x100  }
0x21e: {  	[sflag:s25] =	ssyncset.done $0x0  }
0x21f: {  	[sflag:s25] =	ssyncadd.s32 $0xFFFFFF00  }
0x220: {  	_ =	swait.ge [sflag:s25], $0x100  }
0x221: {  	[sflag:s25] =	ssyncset.done $0x0  }
0x222: {  	[sflag:s25] =	ssyncadd.s32 $0xFFFFFF00  }
0x223: {  	_ =	swait.ge [sflag:s25], $0x100  }
0x224: {  	[sflag:s25] =	ssyncset.done $0x0  }
0x225: {  	[sflag:s25] =	ssyncadd.s32 $0xFFFFFF00  }
0x226: {  	_ =	swait.ge [sflag:s25], $0x100  }
0x227: {  	[sflag:s25] =	ssyncset.done $0x0  }
0x228: {  	[sflag:s25] =	ssyncadd.s32 $0xFFFFFF00  }
0x229: {  	_ =	swait.ge [sflag:s25], $0x100  }
0x22a: {  	[sflag:s25] =	ssyncset.done $0x0  }
0x22b: {  	[sflag:s25] =	ssyncadd.s32 $0xFFFFFF00  }
0x22c: {  	_ =	swait.ge [sflag:s25], $0x100  }
0x22d: {  	[sflag:s25] =	ssyncset.done $0x0  }
0x22e: {  	[sflag:s25] =	ssyncadd.s32 $0xFFFFFF00  }
0x22f: {  	_ =	swait.ge [sflag:s25], $0x100  }
0x230: {  	[sflag:s25] =	ssyncset.done $0x0  }
0x231: {  	[sflag:s25] =	ssyncadd.s32 $0xFFFFFF00  }
0x232: {  	_ =	swait.ge [sflag:s25], $0x100  }
0x233: {  	[sflag:s25] =	ssyncset.done $0x0  }
0x234: {  	[sflag:s25] =	ssyncadd.s32 $0xFFFFFF00  }
0x235: {  	_ =	swait.ge [sflag:s25], $0x100  }
0x236: {  	[sflag:s25] =	ssyncset.done $0x0  }
0x237: {  	[sflag:s25] =	ssyncadd.s32 $0xFFFFFF00  }
0x238: {  	_ =	swait.ge [sflag:s25], $0x100  }
0x239: {  	[sflag:s25] =	ssyncset.done $0x0  }
0x23a: {  	[sflag:s25] =	ssyncadd.s32 $0xFFFFFF00  }
0x23b: {  	_ =	swait.ge [sflag:s25], $0x100  }
0x23c: {  	[sflag:s25] =	ssyncset.done $0x0  }
0x23d: {  	[sflag:s25] =	ssyncadd.s32 $0xFFFFFF00  }
0x23e: {  	_ =	swait.ge [sflag:s25], $0x100  }
0x23f: {  	[sflag:s25] =	ssyncset.done $0x0  }
0x240: {  	[sflag:s25] =	ssyncadd.s32 $0xFFFFFF00  }
0x241: {  	_ =	swait.ge [sflag:s25], $0x100  }
0x242: {  	[sflag:s25] =	ssyncset.done $0x0  }
0x243: {  	[sflag:s25] =	ssyncadd.s32 $0xFFFFFF00  }
0x244: {  	_ =	swait.ge [sflag:s25], $0x100  }
0x245: {  	[sflag:s25] =	ssyncset.done $0x0  }
0x246: {  	[sflag:s25] =	ssyncadd.s32 $0xFFFFFF00  }
0x247: {  	_ =	swait.ge [sflag:s25], $0x100  }
0x248: {  	[sflag:s25] =	ssyncset.done $0x0  }
0x249: {  	[sflag:s25] =	ssyncadd.s32 $0xFFFFFF00  }
0x24a: {  	_ =	swait.ge [sflag:s25], $0x100  }
0x24b: {  	[sflag:s25] =	ssyncset.done $0x0  }
0x24c: {  	[sflag:s25] =	ssyncadd.s32 $0xFFFFFF00  }
0x24d: {  	_ =	swait.ge [sflag:s25], $0x100  }
0x24e: {  	[sflag:s25] =	ssyncset.done $0x0  }
0x24f: {  	[sflag:s25] =	ssyncadd.s32 $0xFFFFFF00  }
0x250: {  	_ =	swait.ge [sflag:s25], $0x100  }
0x251: {  	[sflag:s25] =	ssyncset.done $0x0  }
0x252: {  	[sflag:s25] =	ssyncadd.s32 $0xFFFFFF00  }
0x253: {  	_ =	swait.ge [sflag:s25], $0x100  }
0x254: {  	[sflag:s25] =	ssyncset.done $0x0  }
0x255: {  	[sflag:s25] =	ssyncadd.s32 $0xFFFFFF00  }
0x256: {  	_ =	swait.ge [sflag:s25], $0x100  }
0x257: {  	[sflag:s25] =	ssyncset.done $0x0  }
0x258: {  	[sflag:s25] =	ssyncadd.s32 $0xFFFFFF00  }
0x259: {  	_ =	swait.ge [sflag:s25], $0x100  }
0x25a: {  	[sflag:s25] =	ssyncset.done $0x0  }
0x25b: {  	[sflag:s25] =	ssyncadd.s32 $0xFFFFFF00  }
0x25c: {  	_ =	swait.ge [sflag:s25], $0x100  }
0x25d: {  	[sflag:s25] =	ssyncset.done $0x0  }
0x25e: {  	[sflag:s25] =	ssyncadd.s32 $0xFFFFFF00  }
0x25f: {  	_ =	swait.ge [sflag:s25], $0x100  }
0x260: {  	[sflag:s25] =	ssyncset.done $0x0  }
0x261: {  	[sflag:s25] =	ssyncadd.s32 $0xFFFFFF00  }
0x262: {  	_ =	swait.ge [sflag:s25], $0x100  }
0x263: {  	[sflag:s25] =	ssyncset.done $0x0  }
0x264: {  	[sflag:s25] =	ssyncadd.s32 $0xFFFFFF00  }
0x265: {  	_ =	swait.ge [sflag:s25], $0x100  }
0x266: {  	[sflag:s25] =	ssyncset.done $0x0  }
0x267: {  	[sflag:s25] =	ssyncadd.s32 $0xFFFFFF00  }
0x268: {  	_ =	swait.ge [sflag:s25], $0x100  }
0x269: {  	[sflag:s25] =	ssyncset.done $0x0  }
0x26a: {  	[sflag:s25] =	ssyncadd.s32 $0xFFFFFF00  }
0x26b: {  	_ =	swait.ge [sflag:s25], $0x100  }
0x26c: {  	[sflag:s25] =	ssyncset.done $0x0  }
0x26d: {  	[sflag:s25] =	ssyncadd.s32 $0xFFFFFF00  }
0x26e: {  	_ =	swait.ge [sflag:s25], $0x100  }
0x26f: {  	[sflag:s25] =	ssyncset.done $0x0  }
0x270: {  	[sflag:s25] =	ssyncadd.s32 $0xFFFFFF00  }
.Ltmp5:
0x271: {  	_ =	swait.ge [sflag:s25], $0x100;
	(pc) =	sbr.rel @p1 .LBB2_6-.Ltmp5, $4  }
0x272: {  	[sflag:s25] =	ssyncset.done $0x0  }
0x273: {  	[sflag:s25] =	ssyncadd.s32 $0xFFFFFF00  }
0x274: {  	[bflag:$0x0] =	sbarrier.arrive $0xFFFF  }
0x275: {  	s3 =	simm.s32 $0x200;
	p2 =	por $0x0, $0x0  }
0x276: {  	s3 =	sshrl.u32 @!p0 s1, $0x3;
	s7 =	simm.s32 @!p0 $0x1;
	s8 =	simm.s32 @!p0 $0x80  }
0x277: {  	s10 =	simm.s32 @!p0 $0x10;
	s11 =	simm.s32 @!p0 $0x1C02;
	s21 =	rddreg [dreg:$0x7]  }
0x278: {  	[hbm:s21@s8], [sflag:s11] =	dma.strided @!p0 [spmem:s3@s10], $0x80, s7, $0x10   }
0x279: {  	s3 =	simm.s32 @!p0 $0x2  }
0x27a: {  	_ =	swait.ge @!p0 [sflag:s3], $0x80  }
0x27b: {  	s21 =	rddreg [dreg:$0x9]  }
0x27c: {  	s23 =	rddreg [dreg:$0x8];
	s8 =	sadd.s32 $0x1, s21  }
0x27d: {  	p1 =	sne.s32 s8, s23  }
.Ltmp6:
0x27e: {  	_ = 	snop;
	(pc) =	sbr.rel @p1 .LBB2_1-.Ltmp6, $3  }
0x27f: {  	_ =	sdelay $0x1  }
0x280: {  	[sflag:s3] =	ssyncset.done @!p0 $0x0  }
0x281: {  	[sflag:s3] =	ssyncadd.s32 @!p0 $0xFFFFFF80  }
0x282: {  	_ =	sfence.sel $0x180000  }
0x283: {  	[bflag:$0x0] =	sbarrier.arrive $0xFFFF  }
0x284: {  	_ =	strace $0x90000047  }
0x285: {  	[bflag:$0x2] =	sbarrier.arrive $0xFFFF  }
0x286: {  	s0 =	rddreg [dreg:$0x4]  }
0x287: {  	s0 =	sadd.s32 @!p0 $0x100000, s0  }
0x288: {  	[sflag:s0] =	ssyncadd.tile.s32 @!p0 $0x1;
	_ =	shalt  }
.Lfunc_end2:
_tile_overlayer_lowered:
.L_overlay_start_2:
0x289: {  	(tag) =	ssettag $0x2  }
0x28a: {  	s0 =	rddreg [dreg:$0x0];
	s2 =	stileid.u32  }
0x28b: {  	s1 =	rddreg [dreg:$0x1];
	p0 =	sne.s32 s2, $0x0  }
0x28c: {  	s3 =	rddreg [dreg:$0x2];
	[bflag:$0x3] =	sbarrier.arrive $0xFFFF;
	s2 =	simm.s32 @!p0 $0x1C02  }
0x28d: {  	[timem:s3], [sflag:s2] =	dma.local @!p0 [hbm:s0], s1  }
0x28e: {  	s0 =	simm.s32 @!p0 $0x2  }
0x28f: {  	_ =	swait.ge @!p0 [sflag:s0], s1  }
0x290: {  	s1 =	ssub.s32 @!p0 $0x0, s1;
	[sflag:s0] =	ssyncset.done @!p0 $0x0  }
0x291: {  	[sflag:s0] =	ssyncadd.s32 @!p0 s1  }
0x292: {  	[bflag:$0x3] =	sbarrier.arrive $0xFFFF  }
0x293: {  	_ =	shalt  }

</sc_bundles>
